<compile_context>
chip_gen: v7x
topology: tpu7x:2x2x1
jax: 0.10.2.dev20260603
libtpu: 0.0.44.dev20260713+nightly
codegen_flags: <defaults>
</compile_context>

<pallas_src>
import functools
import jax
import jax.numpy as jnp
from jax import lax
from jax.experimental import pallas as pl
from jax.experimental.pallas import tpu as pltpu
from jax.experimental.pallas import tpu_sc as plsc

LANES = 128
NC, NS = 2, 16
NW = NC * NS


def _sc_ohem(x, trm, tnm):
    b, _, pixb = x.shape
    total = b * pixb
    per_w = total // NW
    wpb = pixb // per_w
    ch = min(8192, per_w)
    nch = per_w // ch
    mesh = plsc.VectorSubcoreMesh(core_axis_name="c", subcore_axis_name="s")

    @functools.partial(
        pl.kernel, mesh=mesh,
        out_type=[
            jax.ShapeDtypeStruct((NW, 4, 16), jnp.float32),
            jax.ShapeDtypeStruct((total,), jnp.float32),
        ],
        scratch_types=[
            pltpu.VMEM((ch,), jnp.float32),
            pltpu.VMEM((ch,), jnp.float32),
            pltpu.VMEM((ch,), jnp.int32),
            pltpu.VMEM((ch,), jnp.int32),
            pltpu.VMEM((ch,), jnp.float32),
            pltpu.VMEM((4, 16), jnp.float32),
            pltpu.SemaphoreType.DMA,
        ],
    )
    def k(x_hbm, tr_hbm, tn_hbm, out_hbm, ce_hbm,
          l0_v, l1_v, tr_v, tn_v, ce_v, st_v, dsem):
        wid = lax.axis_index("s") * NC + lax.axis_index("c")
        bb = wid // wpb
        off = (wid % wpb) * per_w

        def chunk_body(ci, carry):
            start = off + ci * ch
            cps = [
                pltpu.make_async_copy(
                    x_hbm.at[bb, 0, pl.ds(start, ch)], l0_v, dsem),
                pltpu.make_async_copy(
                    x_hbm.at[bb, 1, pl.ds(start, ch)], l1_v, dsem),
                pltpu.make_async_copy(
                    tr_hbm.at[bb, pl.ds(start, ch)], tr_v, dsem),
                pltpu.make_async_copy(
                    tn_hbm.at[bb, pl.ds(start, ch)], tn_v, dsem),
            ]
            for cp in cps:
                cp.start()
            for cp in cps:
                cp.wait()

            def vec_body(i, c2):
                np2, nn2, lp2, ns2 = c2
                sl = pl.ds(i * 16, 16)
                a = l0_v[sl]
                bq = l1_v[sl]
                t = tr_v[sl]
                n = tn_v[sl]
                posv = (t * n).astype(jnp.float32)
                negv = ((1 - t) * n).astype(jnp.float32)
                m = jnp.maximum(a, bq)
                u = jnp.exp(-jnp.abs(a - bq))
                z = u / (2.0 + u)
                z2 = z * z
                lnw = 2.0 * z * (1.0 + z2 * (
                    (1.0 / 3.0) + z2 * (0.2 + z2 * (1.0 / 7.0))))
                ce = m - jnp.where(t == 1, bq, a) + lnw
                ce_v[sl] = jnp.where(negv > 0.0, ce, -1.0)
                return (np2 + posv, nn2 + negv,
                        lp2 + posv * ce, ns2 + negv * ce)

            res = lax.fori_loop(0, ch // 16, vec_body, carry)
            pltpu.sync_copy(ce_v, ce_hbm.at[pl.ds(bb * pixb + start, ch)])
            return res

        z16 = jnp.zeros((16,), jnp.float32)
        np_, nn_, lp_, ns_ = lax.fori_loop(
            0, nch, chunk_body, (z16, z16, z16, z16))
        st_v[0] = np_
        st_v[1] = nn_
        st_v[2] = lp_
        st_v[3] = ns_
        pltpu.sync_copy(st_v, out_hbm.at[wid])

    return k(x, trm, tnm)


def _sl1(r):
    d = jnp.abs(r - 1.0)
    return jnp.where(d < 1.0, 0.5 * d * d, d - 0.5)


def _sl1_custom(x, t):
    d = jnp.abs(x - t)
    return jnp.where(d < 1.0 / 9.0, 4.5 * d * d, d - 1.0 / 18.0)


def _ce2(a, b, label):
    m = jnp.maximum(a, b)
    sp = jnp.log(1.0 + jnp.exp(-jnp.abs(a - b)))
    chosen = jnp.where(label == 1, b, a)
    return m - chosen + sp


def _make_dense_body(nblk, rb):
    def body(x23_ref, x45_ref, x67_ref, tr_ref, tn_ref, tcl_ref, rad_ref,
             sin_ref, cos_ref, out_ref, acc_ref):
        b = pl.program_id(0)
        j = pl.program_id(1)
        nb = pl.num_programs(0)
        step = b * nblk + j

        @pl.when(step == 0)
        def _init():
            acc_ref[...] = jnp.zeros_like(acc_ref)

        trm = tr_ref[0]
        tnm = tn_ref[0]
        tclm = tcl_ref[0]
        posf = (trm * tnm).astype(jnp.float32)

        ce_tcl = _ce2(x23_ref[0, 0], x23_ref[0, 1], tclm)

        sn = x45_ref[0, 0]
        cs = x45_ref[0, 1]
        scale = jax.lax.rsqrt(sn * sn + cs * cs + 0.0001)
        snp = sn * scale
        csp = cs * scale

        tp = x67_ref[0, 0]
        bt = x67_ref[0, 1]
        topm = rad_ref[0, 0]
        botm = rad_ref[0, 1]
        rad_l = _sl1(tp / (topm + 0.01)) + _sl1(bt / (botm + 0.01))

        tcl_sel = tclm == 1
        s0 = posf * ce_tcl
        s1 = tclm.astype(jnp.float32)
        s2 = (tnm * tclm).astype(jnp.float32)
        s3 = jnp.where(tcl_sel, rad_l, 0.0)
        s4 = jnp.where(tcl_sel, _sl1_custom(snp, sin_ref[0]), 0.0)
        s5 = jnp.where(tcl_sel, _sl1_custom(csp, cos_ref[0]), 0.0)

        for q, s in enumerate((s0, s1, s2, s3, s4, s5)):
            acc_ref[q * 8:(q + 1) * 8, :] += jnp.sum(
                s.reshape(s.shape[0] // 8, 8, LANES), axis=0)

        @pl.when(step == nb * nblk - 1)
        def _fin():
            vals = [jnp.sum(acc_ref[q * 8:(q + 1) * 8, :]) for q in range(6)]
            lane = jax.lax.broadcasted_iota(jnp.int32, (1, LANES), 1)
            outv = jnp.zeros((1, LANES), jnp.float32)
            for i, v in enumerate(vals):
                outv = outv + jnp.where(lane == i, v, 0.0)
            out_ref[...] = outv

    return body


def _tc_dense(x, trm, tnm, tcl, rad, snm, csm):
    b = x.shape[0]
    rows_b = x.shape[2]
    rb = min(512, rows_b)
    nblk = rows_b // rb
    body = _make_dense_body(nblk, rb)
    return pl.pallas_call(
        body,
        grid=(b, nblk),
        in_specs=[
            pl.BlockSpec((1, 2, rb, LANES), lambda i, j: (i, 1, j, 0)),
            pl.BlockSpec((1, 2, rb, LANES), lambda i, j: (i, 2, j, 0)),
            pl.BlockSpec((1, 2, rb, LANES), lambda i, j: (i, 3, j, 0)),
            pl.BlockSpec((1, rb, LANES), lambda i, j: (i, j, 0)),
            pl.BlockSpec((1, rb, LANES), lambda i, j: (i, j, 0)),
            pl.BlockSpec((1, rb, LANES), lambda i, j: (i, j, 0)),
            pl.BlockSpec((1, 2, rb, LANES), lambda i, j: (i, 0, j, 0)),
            pl.BlockSpec((1, rb, LANES), lambda i, j: (i, j, 0)),
            pl.BlockSpec((1, rb, LANES), lambda i, j: (i, j, 0)),
        ],
        out_specs=pl.BlockSpec((1, LANES), lambda i, j: (0, 0)),
        out_shape=jax.ShapeDtypeStruct((1, LANES), jnp.float32),
        scratch_shapes=[pltpu.VMEM((48, LANES), jnp.float32)],
    )(x, x, x, trm, tnm, tcl, rad, snm, csm)


def _make_combine_body(rows_total, g_rows):
    def body(scp_ref, tcp_ref, gp_ref, gl_ref, ce_hbm_ref, out_ref,
             ce_scr, topk_ref, sem):
        v = scp_ref[...]
        lane2 = jax.lax.broadcasted_iota(jnp.int32, (16, LANES), 1)
        q = (lane2 % 64) // 16
        n_pos = jnp.sum(jnp.where(q == 0, v, 0.0))
        n_neg_avail = jnp.sum(jnp.where(q == 1, v, 0.0))
        loss_pos = jnp.sum(jnp.where(q == 2, v, 0.0))
        neg_sum = jnp.sum(jnp.where(q == 3, v, 0.0))

        tv = tcp_ref[...]
        lane1 = jax.lax.broadcasted_iota(jnp.int32, (1, LANES), 1)
        tcl_sum = jnp.sum(jnp.where(lane1 == 0, tv, 0.0))
        n_tcl_sel = jnp.sum(jnp.where(lane1 == 1, tv, 0.0))
        n_tcl_train = jnp.sum(jnp.where(lane1 == 2, tv, 0.0))
        radii_sum = jnp.sum(jnp.where(lane1 == 3, tv, 0.0))
        sin_sum = jnp.sum(jnp.where(lane1 == 4, tv, 0.0))
        cos_sum = jnp.sum(jnp.where(lane1 == 5, tv, 0.0))

        n_neg = jnp.where(
            n_pos > 0.0,
            jnp.minimum(n_neg_avail, jnp.floor(3.0 * n_pos)),
            jnp.float32(100.0))

        topk_ref[0] = neg_sum

        @pl.when(n_neg < n_neg_avail)
        def _rare():
            cp = pltpu.make_async_copy(ce_hbm_ref, ce_scr, sem)
            cp.start()
            cp.wait()
            cr = min(512, rows_total)
            nch = rows_total // cr
            k_f = n_neg

            def count_ge(cand):
                def it(c, acc):
                    blk = ce_scr[pl.ds(c * cr, cr), :]
                    bits = jax.lax.bitcast_convert_type(blk, jnp.int32)
                    return acc + jnp.sum((bits >= cand).astype(jnp.float32))
                return jax.lax.fori_loop(0, nch, it, jnp.float32(0.0))

            def bit_it(i, t):
                cand = t | (jnp.int32(1) << (30 - i))
                return jnp.where(count_ge(cand) >= k_f, cand, t)

            t = jax.lax.fori_loop(0, 31, bit_it, jnp.int32(0))

            def fin_it(c, carry):
                s, n = carry
                blk = ce_scr[pl.ds(c * cr, cr), :]
                bits = jax.lax.bitcast_convert_type(blk, jnp.int32)
                gt = bits > t
                return (s + jnp.sum(jnp.where(gt, blk, 0.0)),
                        n + jnp.sum(gt.astype(jnp.float32)))

            s_gt, n_gt = jax.lax.fori_loop(
                0, nch, fin_it, (jnp.float32(0.0), jnp.float32(0.0)))
            t_val = jax.lax.bitcast_convert_type(t, jnp.float32)
            topk_ref[0] = s_gt + (k_f - n_gt) * t_val

        topk_sum = topk_ref[0]

        loss_tr = (loss_pos + topk_sum) / (n_pos + n_neg)
        loss_tcl = jnp.where(
            n_pos > 0.0, tcl_sum / jnp.maximum(n_pos, 1.0), 0.0)
        denom = jnp.maximum(n_tcl_sel, 1.0)
        cond = n_tcl_train > 0.0
        loss_radii = jnp.where(cond, radii_sum / denom, 0.0)
        loss_sin = jnp.where(cond, sin_sum / denom, 0.0)
        loss_cos = jnp.where(cond, cos_sum / denom, 0.0)

        gce = _ce2(gp_ref[0], gp_ref[1], gl_ref[...])
        gcn_loss = jnp.sum(gce) / jnp.float32(g_rows * LANES)

        outv = (jnp.where(lane1 == 0, loss_tr, 0.0)
                + jnp.where(lane1 == 1, loss_tcl, 0.0)
                + jnp.where(lane1 == 2, loss_sin, 0.0)
                + jnp.where(lane1 == 3, loss_cos, 0.0)
                + jnp.where(lane1 == 4, loss_radii, 0.0)
                + jnp.where(lane1 == 5, gcn_loss, 0.0))
        out_ref[...] = outv

    return body


def _combine(scp, tcp, gp, gl, ce_stash):
    rows_total = ce_stash.shape[0]
    g_rows = gp.shape[1]
    body = _make_combine_body(rows_total, g_rows)
    out = pl.pallas_call(
        body,
        in_specs=[
            pl.BlockSpec(memory_space=pltpu.MemorySpace.VMEM),
            pl.BlockSpec(memory_space=pltpu.MemorySpace.VMEM),
            pl.BlockSpec(memory_space=pltpu.MemorySpace.VMEM),
            pl.BlockSpec(memory_space=pltpu.MemorySpace.VMEM),
            pl.BlockSpec(memory_space=pltpu.MemorySpace.HBM),
        ],
        out_specs=pl.BlockSpec(memory_space=pltpu.MemorySpace.VMEM),
        out_shape=jax.ShapeDtypeStruct((1, LANES), jnp.float32),
        scratch_shapes=[
            pltpu.VMEM((rows_total, LANES), jnp.float32),
            pltpu.SMEM((1,), jnp.float32),
            pltpu.SemaphoreType.DMA,
        ],
    )(scp, tcp, gp, gl, ce_stash)
    return out


def kernel(inputs, gcn_pred, gcn_labels, train_mask, tr_mask, tcl_mask,
           radii_map, sin_map, cos_map):
    b, c, h, w = inputs.shape
    pix = h * w
    rows_b = pix // LANES
    g = gcn_pred.shape[0]
    g_rows = g // LANES

    x = inputs.reshape(b, 8, pix)
    trm_f = tr_mask.astype(jnp.int32).reshape(b, pix)
    tnm_f = train_mask.astype(jnp.int32).reshape(b, pix)

    sc_part, ce_stash = _sc_ohem(x, trm_f, tnm_f)

    x4 = inputs.reshape(b, 8, rows_b, LANES)
    trm = trm_f.reshape(b, rows_b, LANES)
    tnm = tnm_f.reshape(b, rows_b, LANES)
    tcl = tcl_mask.astype(jnp.int32).reshape(b, rows_b, LANES)
    rad = jnp.transpose(radii_map.reshape(b, pix, 2), (0, 2, 1))
    rad = rad.reshape(b, 2, rows_b, LANES)
    snm = sin_map.reshape(b, rows_b, LANES)
    csm = cos_map.reshape(b, rows_b, LANES)
    tc_part = _tc_dense(x4, trm, tnm, tcl, rad, snm, csm)

    gp = jnp.transpose(gcn_pred, (1, 0)).reshape(2, g_rows, LANES)
    gl = gcn_labels.astype(jnp.int32).reshape(g_rows, LANES)
    scp = sc_part.reshape(NW * 4 * 16 // LANES, LANES)
    ce2d = ce_stash.reshape(b * rows_b, LANES)

    out = _combine(scp, tc_part, gp, gl, ce2d)
    return (out[0, 0], out[0, 1], out[0, 2], out[0, 3], out[0, 4], out[0, 5])

# --- scband reference (transcript-rebuilt; emitter-appended) ---
"""Pipeline reference for scband-text-loss-833223655739 (READ-ONLY COPY).

The authoritative reference and input builder live on the scoring server;
editing this copy changes nothing except your own understanding.
"""

import jax, jax.numpy as jnp
import numpy as np


def _ce(logits, labels):
    logp = jax.nn.log_softmax(logits, axis=-1)
    return -jnp.take_along_axis(logp, labels[:, None], axis=-1)[:, 0]


def _ohem(predict, target, mask, negative_ratio=3.0):
    pos = (target * mask).astype(bool)
    neg = ((1 - target) * mask).astype(bool)
    n_pos = pos.sum()
    n_neg_avail = neg.sum()
    ce_all = _ce(predict, target)
    loss_pos = jnp.where(pos, ce_all, jnp.float32(0.0)).sum()
    n_neg = jnp.where(
        n_pos > 0,
        jnp.minimum(n_neg_avail, jnp.floor(negative_ratio * n_pos).astype(n_neg_avail.dtype)),
        jnp.asarray(100, dtype=n_neg_avail.dtype),
    )
    neg_losses = jnp.where(neg, ce_all, -jnp.inf)
    sorted_neg, _ = jax.lax.top_k(neg_losses, neg_losses.shape[0])
    ranks = jnp.arange(sorted_neg.shape[0])
    loss_neg_top = jnp.where(ranks < n_neg, sorted_neg, jnp.float32(0.0))
    return (loss_pos + loss_neg_top.sum()) / (n_pos + n_neg).astype(jnp.float32)


def _smooth_l1_builtin(x, t):
    d = jnp.abs(x - t)
    return jnp.where(d < 1.0, 0.5 * d * d, d - 0.5)


def _smooth_l1_custom(x, t, mask, denom, sigma=9.0):
    d = jnp.abs(x - t)
    less_one = (d < 1.0 / sigma).astype(jnp.float32)
    loss = less_one * 0.5 * d ** 2 * sigma + jnp.abs(1.0 - less_one) * (d - 0.5 / sigma)
    return jnp.where(mask, loss, jnp.float32(0.0)).sum() / denom


def setup_inputs(seed: int = 0):
    key = jax.random.key(seed)
    ks = jax.random.split(key, 10)
    B, H, W = 8, 512, 512
    return {
        "inputs": jax.random.normal(ks[0], (B, 8, H, W), dtype=jnp.float32),
        "gcn_pred": jax.random.normal(ks[1], (1024, 2), dtype=jnp.float32),
        "gcn_labels": jax.random.randint(ks[2], (1024,), 0, 2),
        "train_mask": jax.random.randint(ks[3], (B, H, W), 0, 2),
        "tr_mask": jax.random.randint(ks[4], (B, H, W), 0, 2),
        "tcl_mask": jax.random.randint(ks[5], (B, H, W, 1), 0, 2),
        "radii_map": jax.random.uniform(ks[6], (B, H, W, 2), dtype=jnp.float32),
        "sin_map": jax.random.normal(ks[7], (B, H, W), dtype=jnp.float32),
        "cos_map": jax.random.normal(ks[8], (B, H, W), dtype=jnp.float32),
    }


def reference(inputs, gcn_pred, gcn_labels, train_mask, tr_mask, tcl_mask, radii_map, sin_map, cos_map):
    tr_pred = jnp.transpose(inputs[:, :2], (0, 2, 3, 1)).reshape(-1, 2)
    tcl_pred = jnp.transpose(inputs[:, 2:4], (0, 2, 3, 1)).reshape(-1, 2)
    sin_pred = inputs[:, 4].reshape(-1)
    cos_pred = inputs[:, 5].reshape(-1)
    scale = jnp.sqrt(1.0 / (sin_pred ** 2 + cos_pred ** 2 + 0.0001))
    sin_pred = sin_pred * scale
    cos_pred = cos_pred * scale
    top_pred = inputs[:, 6].reshape(-1)
    bot_pred = inputs[:, 7].reshape(-1)

    train_mask_f = train_mask.reshape(-1).astype(jnp.int64)
    tr_mask_f = tr_mask.reshape(-1).astype(jnp.int64)
    tcl_mask_f = tcl_mask[:, :, :, 0].reshape(-1).astype(jnp.int64)
    sin_map_f = sin_map.reshape(-1)
    cos_map_f = cos_map.reshape(-1)
    top_map = radii_map[:, :, :, 0].reshape(-1)
    bot_map = radii_map[:, :, :, 1].reshape(-1)

    loss_tr = _ohem(tr_pred, tr_mask_f, train_mask_f)

    tr_train = (train_mask_f * tr_mask_f).astype(bool)
    n_tr = tr_train.sum()
    ce_tcl = _ce(tcl_pred, tcl_mask_f)
    loss_tcl = jnp.where(
        n_tr > 0,
        jnp.where(tr_train, ce_tcl, jnp.float32(0.0)).sum() / jnp.maximum(n_tr, 1).astype(jnp.float32),
        jnp.float32(0.0),
    )

    tcl_train = (train_mask_f * tcl_mask_f).astype(bool)
    tcl_cond = tcl_train.sum() > 0
    tcl_sel = tcl_mask_f.astype(bool)
    denom = jnp.maximum(tcl_sel.sum(), 1).astype(jnp.float32)
    ones = jnp.ones_like(top_pred)
    loss_top = _smooth_l1_builtin(top_pred / (top_map + 0.01), ones)
    loss_bot = _smooth_l1_builtin(bot_pred / (bot_map + 0.01), ones)
    loss_radii = jnp.where(
        tcl_cond,
        jnp.where(tcl_sel, loss_top + loss_bot, jnp.float32(0.0)).sum() / denom,
        jnp.float32(0.0),
    )
    loss_sin = jnp.where(
        tcl_cond,
        _smooth_l1_custom(sin_pred, sin_map_f, tcl_sel, denom),
        jnp.float32(0.0),
    )
    loss_cos = jnp.where(
        tcl_cond,
        _smooth_l1_custom(cos_pred, cos_map_f, tcl_sel, denom),
        jnp.float32(0.0),
    )

    gcn_loss = _ce(gcn_pred, gcn_labels.reshape(-1)).mean()
    return (loss_tr, loss_tcl, loss_sin, loss_cos, loss_radii, gcn_loss)

if __name__ == "__main__":
    import jax
    _d = setup_inputs()
    print(jax.jit(kernel)(*tuple(_d.values())))

</pallas_src>

<mosaic_0001>
#map = affine_map<(d0, d1) -> (0, 0, 0)>
#map1 = affine_map<(d0, d1) -> (0, 0)>
#map2 = affine_map<(d0, d1) -> (0)>
module attributes {stable_mosaic.version = 14 : i64} {
  func.func @k(%arg0: i32, %arg1: i32, %arg2: memref<8x8x262144xf32, #tpu.memory_space<hbm>>, %arg3: memref<8x262144xi32, #tpu.memory_space<hbm>>, %arg4: memref<8x262144xi32, #tpu.memory_space<hbm>>, %arg5: memref<32x4x16xf32, #tpu.memory_space<hbm>>, %arg6: memref<2097152xf32, #tpu.memory_space<hbm>>, %arg7: memref<8192xf32, #tpu.memory_space<vmem>>, %arg8: memref<8192xf32, #tpu.memory_space<vmem>>, %arg9: memref<8192xi32, #tpu.memory_space<vmem>>, %arg10: memref<8192xi32, #tpu.memory_space<vmem>>, %arg11: memref<8192xf32, #tpu.memory_space<vmem>>, %arg12: memref<4x16xf32, #tpu.memory_space<vmem>>, %arg13: memref<!tpu.dma_semaphore, #tpu.memory_space<semaphore_mem>>) attributes {dimension_semantics = [#tpu.dimension_semantics<core_parallel>, #tpu.dimension_semantics<subcore_parallel>], iteration_bounds = array<i64: 2, 16>, scalar_prefetch = 0 : i64, scratch_operands = 7 : i64, tpu.core_type = #tpu.core_type<sc_vector_subcore>, window_params = [{transform_indices = #map}, {transform_indices = #map1}, {transform_indices = #map1}, {transform_indices = #map}, {transform_indices = #map2}]} {
    %mul3A = arith.constant 2 : i32
    %mul3A_0 = arith.muli %arg1, %mul3A : i32
    %add3A = arith.addi %mul3A_0, %arg0 : i32
    %jit3A = arith.constant 4 : i32
    %div3A = arith.divsi %add3A, %jit3A : i32
    %sign3A = arith.constant 0 : i32
    %sign3A_1 = arith.cmpi sgt, %add3A, %sign3A : i32
    %sign3A_2 = arith.extui %sign3A_1 : i1 to i32
    %sign3A_3 = arith.constant 0 : i32
    %sign3A_4 = arith.cmpi slt, %add3A, %sign3A_3 : i32
    %sign3A_5 = arith.extui %sign3A_4 : i1 to i32
    %sign3A_6 = arith.subi %sign3A_2, %sign3A_5 : i32
    %sign3A_7 = arith.constant 0 : i32
    %sign3A_8 = arith.cmpi sgt, %jit3A, %sign3A_7 : i32
    %sign3A_9 = arith.extui %sign3A_8 : i1 to i32
    %sign3A_10 = arith.constant 0 : i32
    %sign3A_11 = arith.cmpi slt, %jit3A, %sign3A_10 : i32
    %sign3A_12 = arith.extui %sign3A_11 : i1 to i32
    %sign3A_13 = arith.subi %sign3A_9, %sign3A_12 : i32
    %ne3A = arith.cmpi ne, %sign3A_6, %sign3A_13 : i32
    %rem3A = arith.remsi %add3A, %jit3A : i32
    %ne3A_14 = arith.constant 0 : i32
    %ne3A_15 = arith.cmpi ne, %rem3A, %ne3A_14 : i32
    %and3A = arith.andi %ne3A, %ne3A_15 : i1
    %sub3A = arith.constant 1 : i32
    %sub3A_16 = arith.subi %div3A, %sub3A : i32
    %select_n3A = arith.select %and3A, %sub3A_16, %div3A : i32
    %jit3A_17 = arith.constant 4 : i32
    %eq3A = arith.constant 0 : i32
    %eq3A_18 = arith.cmpi eq, %jit3A_17, %eq3A : i32
    %jit3A_19 = arith.constant 1 : i32
    %select_n3A_20 = arith.select %eq3A_18, %jit3A_19, %jit3A_17 : i32
    %rem3A_21 = arith.remsi %add3A, %select_n3A_20 : i32
    %ne3A_22 = arith.constant 0 : i32
    %ne3A_23 = arith.cmpi ne, %rem3A_21, %ne3A_22 : i32
    %lt3A = arith.constant 0 : i32
    %lt3A_24 = arith.cmpi slt, %rem3A_21, %lt3A : i32
    %lt3A_25 = arith.constant 0 : i32
    %lt3A_26 = arith.cmpi slt, %select_n3A_20, %lt3A_25 : i32
    %ne3A_27 = arith.xori %lt3A_24, %lt3A_26 : i1
    %and3A_28 = arith.andi %ne3A_27, %ne3A_23 : i1
    %add3A_29 = arith.addi %rem3A_21, %select_n3A_20 : i32
    %select_n3A_30 = arith.select %and3A_28, %add3A_29, %rem3A_21 : i32
    %mul3A_31 = arith.constant 65536 : i32
    %mul3A_32 = arith.muli %select_n3A_30, %mul3A_31 : i32
    %broadcast_in_dim3A = arith.constant 0.000000e+00 : f32
    %broadcast_in_dim3A_33 = vector.broadcast %broadcast_in_dim3A : f32 to vector<16xf32>
    %scan3A = arith.constant 0 : i32
    %scan3A_34 = arith.constant 8 : i32
    %scan3A_35 = arith.addi %scan3A, %scan3A_34 : i32
    %scan3A_36 = arith.constant 1 : i32
    %scan3A_37:4 = scf.for %scan3A_62 = %scan3A to %scan3A_35 step %scan3A_36 iter_args(%scan3A_63 = %broadcast_in_dim3A_33, %scan3A_64 = %broadcast_in_dim3A_33, %scan3A_65 = %broadcast_in_dim3A_33, %scan3A_66 = %broadcast_in_dim3A_33) -> (vector<16xf32>, vector<16xf32>, vector<16xf32>, vector<16xf32>)  : i32 {
      %mul3A_67 = arith.constant 8192 : i32
      %mul3A_68 = arith.muli %scan3A_62, %mul3A_67 : i32
      %add3A_69 = arith.addi %mul3A_32, %mul3A_68 : i32
      %dma_start3A = arith.constant 0 : i32
      %dma_start3A_70 = tpu.memref_slice %arg2[%select_n3A, %dma_start3A, %add3A_69] : memref<8x8x262144xf32, #tpu.memory_space<hbm>> -> memref<1x1x8192xf32, #tpu.memory_space<hbm>>
      %dma_start3A_71 = tpu.memref_squeeze %dma_start3A_70 : memref<1x1x8192xf32, #tpu.memory_space<hbm>> -> memref<8192xf32, #tpu.memory_space<hbm>>
      %dma_start3A_72 = tpu.memref_slice %arg2[%select_n3A, %dma_start3A, %add3A_69] : memref<8x8x262144xf32, #tpu.memory_space<hbm>> -> memref<1x1x8192xf32, #tpu.memory_space<hbm>>
      %dma_start3A_73 = tpu.memref_squeeze %dma_start3A_72 : memref<1x1x8192xf32, #tpu.memory_space<hbm>> -> memref<8192xf32, #tpu.memory_space<hbm>>
      tpu.enqueue_dma source(%dma_start3A_73 : memref<8192xf32, #tpu.memory_space<hbm>>) target(%arg7 : memref<8192xf32, #tpu.memory_space<vmem>>) target_semaphore(%arg13 : memref<!tpu.dma_semaphore, #tpu.memory_space<semaphore_mem>>)
      %dma_start3A_74 = arith.constant 1 : i32
      %dma_start3A_75 = tpu.memref_slice %arg2[%select_n3A, %dma_start3A_74, %add3A_69] : memref<8x8x262144xf32, #tpu.memory_space<hbm>> -> memref<1x1x8192xf32, #tpu.memory_space<hbm>>
      %dma_start3A_76 = tpu.memref_squeeze %dma_start3A_75 : memref<1x1x8192xf32, #tpu.memory_space<hbm>> -> memref<8192xf32, #tpu.memory_space<hbm>>
      %dma_start3A_77 = tpu.memref_slice %arg2[%select_n3A, %dma_start3A_74, %add3A_69] : memref<8x8x262144xf32, #tpu.memory_space<hbm>> -> memref<1x1x8192xf32, #tpu.memory_space<hbm>>
      %dma_start3A_78 = tpu.memref_squeeze %dma_start3A_77 : memref<1x1x8192xf32, #tpu.memory_space<hbm>> -> memref<8192xf32, #tpu.memory_space<hbm>>
      tpu.enqueue_dma source(%dma_start3A_78 : memref<8192xf32, #tpu.memory_space<hbm>>) target(%arg8 : memref<8192xf32, #tpu.memory_space<vmem>>) target_semaphore(%arg13 : memref<!tpu.dma_semaphore, #tpu.memory_space<semaphore_mem>>)
      %dma_start3A_79 = tpu.memref_slice %arg3[%select_n3A, %add3A_69] : memref<8x262144xi32, #tpu.memory_space<hbm>> -> memref<1x8192xi32, #tpu.memory_space<hbm>>
      %dma_start3A_80 = tpu.memref_squeeze %dma_start3A_79 : memref<1x8192xi32, #tpu.memory_space<hbm>> -> memref<8192xi32, #tpu.memory_space<hbm>>
      %dma_start3A_81 = tpu.memref_slice %arg3[%select_n3A, %add3A_69] : memref<8x262144xi32, #tpu.memory_space<hbm>> -> memref<1x8192xi32, #tpu.memory_space<hbm>>
      %dma_start3A_82 = tpu.memref_squeeze %dma_start3A_81 : memref<1x8192xi32, #tpu.memory_space<hbm>> -> memref<8192xi32, #tpu.memory_space<hbm>>
      tpu.enqueue_dma source(%dma_start3A_82 : memref<8192xi32, #tpu.memory_space<hbm>>) target(%arg9 : memref<8192xi32, #tpu.memory_space<vmem>>) target_semaphore(%arg13 : memref<!tpu.dma_semaphore, #tpu.memory_space<semaphore_mem>>)
      %dma_start3A_83 = tpu.memref_slice %arg4[%select_n3A, %add3A_69] : memref<8x262144xi32, #tpu.memory_space<hbm>> -> memref<1x8192xi32, #tpu.memory_space<hbm>>
      %dma_start3A_84 = tpu.memref_squeeze %dma_start3A_83 : memref<1x8192xi32, #tpu.memory_space<hbm>> -> memref<8192xi32, #tpu.memory_space<hbm>>
      %dma_start3A_85 = tpu.memref_slice %arg4[%select_n3A, %add3A_69] : memref<8x262144xi32, #tpu.memory_space<hbm>> -> memref<1x8192xi32, #tpu.memory_space<hbm>>
      %dma_start3A_86 = tpu.memref_squeeze %dma_start3A_85 : memref<1x8192xi32, #tpu.memory_space<hbm>> -> memref<8192xi32, #tpu.memory_space<hbm>>
      tpu.enqueue_dma source(%dma_start3A_86 : memref<8192xi32, #tpu.memory_space<hbm>>) target(%arg10 : memref<8192xi32, #tpu.memory_space<vmem>>) target_semaphore(%arg13 : memref<!tpu.dma_semaphore, #tpu.memory_space<semaphore_mem>>)
      %dma_wait3A = arith.constant 0 : i32
      %dma_wait3A_87 = tpu.memref_slice %arg2[%select_n3A, %dma_wait3A, %add3A_69] : memref<8x8x262144xf32, #tpu.memory_space<hbm>> -> memref<1x1x8192xf32, #tpu.memory_space<hbm>>
      %dma_wait3A_88 = tpu.memref_squeeze %dma_wait3A_87 : memref<1x1x8192xf32, #tpu.memory_space<hbm>> -> memref<8192xf32, #tpu.memory_space<hbm>>
      %dma_wait3A_89 = tpu.memref_slice %arg2[%select_n3A, %dma_wait3A, %add3A_69] : memref<8x8x262144xf32, #tpu.memory_space<hbm>> -> memref<1x1x8192xf32, #tpu.memory_space<hbm>>
      %dma_wait3A_90 = tpu.memref_squeeze %dma_wait3A_89 : memref<1x1x8192xf32, #tpu.memory_space<hbm>> -> memref<8192xf32, #tpu.memory_space<hbm>>
      tpu.wait_dma2 semaphore(%arg13 : memref<!tpu.dma_semaphore, #tpu.memory_space<semaphore_mem>>) src(%dma_wait3A_90 : memref<8192xf32, #tpu.memory_space<hbm>>) dst(%arg7 : memref<8192xf32, #tpu.memory_space<vmem>>)
      %dma_wait3A_91 = arith.constant 1 : i32
      %dma_wait3A_92 = tpu.memref_slice %arg2[%select_n3A, %dma_wait3A_91, %add3A_69] : memref<8x8x262144xf32, #tpu.memory_space<hbm>> -> memref<1x1x8192xf32, #tpu.memory_space<hbm>>
      %dma_wait3A_93 = tpu.memref_squeeze %dma_wait3A_92 : memref<1x1x8192xf32, #tpu.memory_space<hbm>> -> memref<8192xf32, #tpu.memory_space<hbm>>
      %dma_wait3A_94 = tpu.memref_slice %arg2[%select_n3A, %dma_wait3A_91, %add3A_69] : memref<8x8x262144xf32, #tpu.memory_space<hbm>> -> memref<1x1x8192xf32, #tpu.memory_space<hbm>>
      %dma_wait3A_95 = tpu.memref_squeeze %dma_wait3A_94 : memref<1x1x8192xf32, #tpu.memory_space<hbm>> -> memref<8192xf32, #tpu.memory_space<hbm>>
      tpu.wait_dma2 semaphore(%arg13 : memref<!tpu.dma_semaphore, #tpu.memory_space<semaphore_mem>>) src(%dma_wait3A_95 : memref<8192xf32, #tpu.memory_space<hbm>>) dst(%arg8 : memref<8192xf32, #tpu.memory_space<vmem>>)
      %dma_wait3A_96 = tpu.memref_slice %arg3[%select_n3A, %add3A_69] : memref<8x262144xi32, #tpu.memory_space<hbm>> -> memref<1x8192xi32, #tpu.memory_space<hbm>>
      %dma_wait3A_97 = tpu.memref_squeeze %dma_wait3A_96 : memref<1x8192xi32, #tpu.memory_space<hbm>> -> memref<8192xi32, #tpu.memory_space<hbm>>
      %dma_wait3A_98 = tpu.memref_slice %arg3[%select_n3A, %add3A_69] : memref<8x262144xi32, #tpu.memory_space<hbm>> -> memref<1x8192xi32, #tpu.memory_space<hbm>>
      %dma_wait3A_99 = tpu.memref_squeeze %dma_wait3A_98 : memref<1x8192xi32, #tpu.memory_space<hbm>> -> memref<8192xi32, #tpu.memory_space<hbm>>
      tpu.wait_dma2 semaphore(%arg13 : memref<!tpu.dma_semaphore, #tpu.memory_space<semaphore_mem>>) src(%dma_wait3A_99 : memref<8192xi32, #tpu.memory_space<hbm>>) dst(%arg9 : memref<8192xi32, #tpu.memory_space<vmem>>)
      %dma_wait3A_100 = tpu.memref_slice %arg4[%select_n3A, %add3A_69] : memref<8x262144xi32, #tpu.memory_space<hbm>> -> memref<1x8192xi32, #tpu.memory_space<hbm>>
      %dma_wait3A_101 = tpu.memref_squeeze %dma_wait3A_100 : memref<1x8192xi32, #tpu.memory_space<hbm>> -> memref<8192xi32, #tpu.memory_space<hbm>>
      %dma_wait3A_102 = tpu.memref_slice %arg4[%select_n3A, %add3A_69] : memref<8x262144xi32, #tpu.memory_space<hbm>> -> memref<1x8192xi32, #tpu.memory_space<hbm>>
      %dma_wait3A_103 = tpu.memref_squeeze %dma_wait3A_102 : memref<1x8192xi32, #tpu.memory_space<hbm>> -> memref<8192xi32, #tpu.memory_space<hbm>>
      tpu.wait_dma2 semaphore(%arg13 : memref<!tpu.dma_semaphore, #tpu.memory_space<semaphore_mem>>) src(%dma_wait3A_103 : memref<8192xi32, #tpu.memory_space<hbm>>) dst(%arg10 : memref<8192xi32, #tpu.memory_space<vmem>>)
      %scan3A_104 = arith.constant 0 : i32
      %scan3A_105 = arith.constant 512 : i32
      %scan3A_106 = arith.addi %scan3A_104, %scan3A_105 : i32
      %scan3A_107 = arith.constant 1 : i32
      %scan3A_108:4 = scf.for %scan3A_113 = %scan3A_104 to %scan3A_106 step %scan3A_107 iter_args(%scan3A_114 = %scan3A_63, %scan3A_115 = %scan3A_64, %scan3A_116 = %scan3A_65, %scan3A_117 = %scan3A_66) -> (vector<16xf32>, vector<16xf32>, vector<16xf32>, vector<16xf32>)  : i32 {
        %mul3A_118 = arith.constant 16 : i32
        %mul3A_119 = arith.muli %scan3A_113, %mul3A_118 : i32
        %get3A = arith.index_cast %mul3A_119 : i32 to index
        %get3A_120 = tpu.vector_load %arg7[%get3A] {strides = array<i32>} : memref<8192xf32, #tpu.memory_space<vmem>>, vector<16xf32>,
        %get3A_121 = vector.shape_cast %get3A_120 : vector<16xf32> to vector<16xf32>
        %get3A_122 = arith.index_cast %mul3A_119 : i32 to index
        %get3A_123 = tpu.vector_load %arg8[%get3A_122] {strides = array<i32>} : memref<8192xf32, #tpu.memory_space<vmem>>, vector<16xf32>,
        %get3A_124 = vector.shape_cast %get3A_123 : vector<16xf32> to vector<16xf32>
        %get3A_125 = arith.index_cast %mul3A_119 : i32 to index
        %get3A_126 = tpu.vector_load %arg9[%get3A_125] {strides = array<i32>} : memref<8192xi32, #tpu.memory_space<vmem>>, vector<16xi32>,
        %get3A_127 = vector.shape_cast %get3A_126 : vector<16xi32> to vector<16xi32>
        %get3A_128 = arith.index_cast %mul3A_119 : i32 to index
        %get3A_129 = tpu.vector_load %arg10[%get3A_128] {strides = array<i32>} : memref<8192xi32, #tpu.memory_space<vmem>>, vector<16xi32>,
        %get3A_130 = vector.shape_cast %get3A_129 : vector<16xi32> to vector<16xi32>
        %mul3A_131 = arith.muli %get3A_127, %get3A_130 : vector<16xi32>
        %convert_element_type3A = arith.sitofp %mul3A_131 : vector<16xi32> to vector<16xf32>
        %sub3A_132 = arith.constant 1 : i32
        %sub3A_133 = vector.broadcast %sub3A_132 : i32 to vector<16xi32>
        %sub3A_134 = arith.subi %sub3A_133, %get3A_127 : vector<16xi32>
        %mul3A_135 = arith.muli %sub3A_134, %get3A_130 : vector<16xi32>
        %convert_element_type3A_136 = arith.sitofp %mul3A_135 : vector<16xi32> to vector<16xf32>
        %max3A = arith.maximumf %get3A_121, %get3A_124 : vector<16xf32>
        %sub3A_137 = arith.subf %get3A_121, %get3A_124 : vector<16xf32>
        %abs3A = math.absf %sub3A_137 : vector<16xf32>
        %neg3A = arith.constant 0.000000e+00 : f32
        %neg3A_138 = vector.broadcast %neg3A : f32 to vector<16xf32>
        %neg3A_139 = arith.subf %neg3A_138, %abs3A : vector<16xf32>
        %exp3A = math.exp %neg3A_139 : vector<16xf32>
        %add3A_140 = arith.constant 2.000000e+00 : f32
        %add3A_141 = vector.broadcast %add3A_140 : f32 to vector<16xf32>
        %add3A_142 = arith.addf %add3A_141, %exp3A : vector<16xf32>
        %div3A_143 = arith.divf %exp3A, %add3A_142 : vector<16xf32>
        %mul3A_144 = arith.mulf %div3A_143, %div3A_143 : vector<16xf32>
        %mul3A_145 = arith.constant 2.000000e+00 : f32
        %mul3A_146 = vector.broadcast %mul3A_145 : f32 to vector<16xf32>
        %mul3A_147 = arith.mulf %mul3A_146, %div3A_143 : vector<16xf32>
        %mul3A_148 = arith.constant 0.142857149 : f32
        %mul3A_149 = vector.broadcast %mul3A_148 : f32 to vector<16xf32>
        %mul3A_150 = arith.mulf %mul3A_144, %mul3A_149 : vector<16xf32>
        %add3A_151 = arith.constant 2.000000e-01 : f32
        %add3A_152 = vector.broadcast %add3A_151 : f32 to vector<16xf32>
        %add3A_153 = arith.addf %add3A_152, %mul3A_150 : vector<16xf32>
        %mul3A_154 = arith.mulf %mul3A_144, %add3A_153 : vector<16xf32>
        %add3A_155 = arith.constant 0.333333343 : f32
        %add3A_156 = vector.broadcast %add3A_155 : f32 to vector<16xf32>
        %add3A_157 = arith.addf %add3A_156, %mul3A_154 : vector<16xf32>
        %mul3A_158 = arith.mulf %mul3A_144, %add3A_157 : vector<16xf32>
        %add3A_159 = arith.constant 1.000000e+00 : f32
        %add3A_160 = vector.broadcast %add3A_159 : f32 to vector<16xf32>
        %add3A_161 = arith.addf %add3A_160, %mul3A_158 : vector<16xf32>
        %mul3A_162 = arith.mulf %mul3A_147, %add3A_161 : vector<16xf32>
        %eq3A_163 = arith.constant 1 : i32
        %eq3A_164 = vector.broadcast %eq3A_163 : i32 to vector<16xi32>
        %eq3A_165 = arith.cmpi eq, %get3A_127, %eq3A_164 : vector<16xi32>
        %select_n3A_166 = arith.select %eq3A_165, %get3A_124, %get3A_121 : vector<16xi1>, vector<16xf32>
        %sub3A_167 = arith.subf %max3A, %select_n3A_166 : vector<16xf32>
        %add3A_168 = arith.addf %sub3A_167, %mul3A_162 : vector<16xf32>
        %gt3A = arith.constant 0.000000e+00 : f32
        %gt3A_169 = vector.broadcast %gt3A : f32 to vector<16xf32>
        %gt3A_170 = arith.cmpf ogt, %convert_element_type3A_136, %gt3A_169 : vector<16xf32>
        %jit3A_171 = arith.constant -1.000000e+00 : f32
        %broadcast_in_dim3A_172 = vector.broadcast %jit3A_171 : f32 to vector<16xf32>
        %select_n3A_173 = arith.select %gt3A_170, %add3A_168, %broadcast_in_dim3A_172 : vector<16xi1>, vector<16xf32>
        %swap3A_174 = arith.index_cast %mul3A_119 : i32 to index
        %swap3A_175 = tpu.vector_load %arg11[%swap3A_174] {strides = array<i32>} : memref<8192xf32, #tpu.memory_space<vmem>>, vector<16xf32>,
        %swap3A_176 = vector.shape_cast %swap3A_175 : vector<16xf32> to vector<16xf32>
        %swap3A_177 = vector.shape_cast %select_n3A_173 : vector<16xf32> to vector<16xf32>
        tpu.vector_store %arg11[%swap3A_174], %swap3A_177 {strides = array<i32>} : memref<8192xf32, #tpu.memory_space<vmem>>, vector<16xf32>,
        %add3A_178 = arith.addf %scan3A_114, %convert_element_type3A : vector<16xf32>
        %add3A_179 = arith.addf %scan3A_115, %convert_element_type3A_136 : vector<16xf32>
        %mul3A_180 = arith.mulf %convert_element_type3A, %add3A_168 : vector<16xf32>
        %add3A_181 = arith.addf %scan3A_116, %mul3A_180 : vector<16xf32>
        %mul3A_182 = arith.mulf %convert_element_type3A_136, %add3A_168 : vector<16xf32>
        %add3A_183 = arith.addf %scan3A_117, %mul3A_182 : vector<16xf32>
        scf.yield %add3A_178, %add3A_179, %add3A_181, %add3A_183 : vector<16xf32>, vector<16xf32>, vector<16xf32>, vector<16xf32>
      }
      %scan3A_109 = arith.constant 512 : i32
      %mul3A_110 = arith.constant 262144 : i32
      %mul3A_111 = arith.muli %select_n3A, %mul3A_110 : i32
      %add3A_112 = arith.addi %mul3A_111, %add3A_69 : i32
      "tpu.region"() ({
        %run_scoped3A = tpu.sem_alloc : memref<!tpu.dma_semaphore, #tpu.memory_space<semaphore_mem>>
        %dma_start3A_113 = tpu.memref_slice %arg6[%add3A_112] : memref<2097152xf32, #tpu.memory_space<hbm>> -> memref<8192xf32, #tpu.memory_space<hbm>>
        %dma_start3A_114 = tpu.memref_slice %arg6[%add3A_112] : memref<2097152xf32, #tpu.memory_space<hbm>> -> memref<8192xf32, #tpu.memory_space<hbm>>
        tpu.enqueue_dma source(%arg11 : memref<8192xf32, #tpu.memory_space<vmem>>) target(%dma_start3A_114 : memref<8192xf32, #tpu.memory_space<hbm>>) target_semaphore(%run_scoped3A : memref<!tpu.dma_semaphore, #tpu.memory_space<semaphore_mem>>)
        %dma_wait3A_115 = tpu.memref_slice %arg6[%add3A_112] : memref<2097152xf32, #tpu.memory_space<hbm>> -> memref<8192xf32, #tpu.memory_space<hbm>>
        %dma_wait3A_116 = tpu.memref_slice %arg6[%add3A_112] : memref<2097152xf32, #tpu.memory_space<hbm>> -> memref<8192xf32, #tpu.memory_space<hbm>>
        tpu.wait_dma2 semaphore(%run_scoped3A : memref<!tpu.dma_semaphore, #tpu.memory_space<semaphore_mem>>) src(%arg11 : memref<8192xf32, #tpu.memory_space<vmem>>) dst(%dma_wait3A_116 : memref<8192xf32, #tpu.memory_space<hbm>>)
        tpu.yield
      }) : () -> ()
      scf.yield %scan3A_108#0, %scan3A_108#1, %scan3A_108#2, %scan3A_108#3 : vector<16xf32>, vector<16xf32>, vector<16xf32>, vector<16xf32>
    }
    %scan3A_38 = arith.constant 8 : i32
    %swap3A = arith.constant 0 : i32
    %swap3A_39 = arith.index_cast %swap3A : i32 to index
    %swap3A_40 = arith.constant 0 : index
    %swap3A_41 = tpu.vector_load %arg12[%swap3A_39, %swap3A_40] {strides = array<i32>} : memref<4x16xf32, #tpu.memory_space<vmem>>, vector<1x16xf32>,
    %swap3A_42 = vector.shape_cast %swap3A_41 : vector<1x16xf32> to vector<16xf32>
    %swap3A_43 = vector.shape_cast %scan3A_37#0 : vector<16xf32> to vector<1x16xf32>
    tpu.vector_store %arg12[%swap3A_39, %swap3A_40], %swap3A_43 {strides = array<i32>} : memref<4x16xf32, #tpu.memory_space<vmem>>, vector<1x16xf32>,
    %swap3A_44 = arith.constant 1 : i32
    %swap3A_45 = arith.index_cast %swap3A_44 : i32 to index
    %swap3A_46 = arith.constant 0 : index
    %swap3A_47 = tpu.vector_load %arg12[%swap3A_45, %swap3A_46] {strides = array<i32>} : memref<4x16xf32, #tpu.memory_space<vmem>>, vector<1x16xf32>,
    %swap3A_48 = vector.shape_cast %swap3A_47 : vector<1x16xf32> to vector<16xf32>
    %swap3A_49 = vector.shape_cast %scan3A_37#1 : vector<16xf32> to vector<1x16xf32>
    tpu.vector_store %arg12[%swap3A_45, %swap3A_46], %swap3A_49 {strides = array<i32>} : memref<4x16xf32, #tpu.memory_space<vmem>>, vector<1x16xf32>,
    %swap3A_50 = arith.constant 2 : i32
    %swap3A_51 = arith.index_cast %swap3A_50 : i32 to index
    %swap3A_52 = arith.constant 0 : index
    %swap3A_53 = tpu.vector_load %arg12[%swap3A_51, %swap3A_52] {strides = array<i32>} : memref<4x16xf32, #tpu.memory_space<vmem>>, vector<1x16xf32>,
    %swap3A_54 = vector.shape_cast %swap3A_53 : vector<1x16xf32> to vector<16xf32>
    %swap3A_55 = vector.shape_cast %scan3A_37#2 : vector<16xf32> to vector<1x16xf32>
    tpu.vector_store %arg12[%swap3A_51, %swap3A_52], %swap3A_55 {strides = array<i32>} : memref<4x16xf32, #tpu.memory_space<vmem>>, vector<1x16xf32>,
    %swap3A_56 = arith.constant 3 : i32
    %swap3A_57 = arith.index_cast %swap3A_56 : i32 to index
    %swap3A_58 = arith.constant 0 : index
    %swap3A_59 = tpu.vector_load %arg12[%swap3A_57, %swap3A_58] {strides = array<i32>} : memref<4x16xf32, #tpu.memory_space<vmem>>, vector<1x16xf32>,
    %swap3A_60 = vector.shape_cast %swap3A_59 : vector<1x16xf32> to vector<16xf32>
    %swap3A_61 = vector.shape_cast %scan3A_37#3 : vector<16xf32> to vector<1x16xf32>
    tpu.vector_store %arg12[%swap3A_57, %swap3A_58], %swap3A_61 {strides = array<i32>} : memref<4x16xf32, #tpu.memory_space<vmem>>, vector<1x16xf32>,
    "tpu.region"() ({
      %run_scoped3A = tpu.sem_alloc : memref<!tpu.dma_semaphore, #tpu.memory_space<semaphore_mem>>
      %dma_start3A = arith.constant 0 : i32
      %dma_start3A_62 = arith.constant 0 : i32
      %dma_start3A_63 = tpu.memref_slice %arg5[%add3A, %dma_start3A, %dma_start3A_62] : memref<32x4x16xf32, #tpu.memory_space<hbm>> -> memref<1x4x16xf32, #tpu.memory_space<hbm>>
      %dma_start3A_64 = tpu.memref_squeeze %dma_start3A_63 : memref<1x4x16xf32, #tpu.memory_space<hbm>> -> memref<4x16xf32, #tpu.memory_space<hbm>>
      %dma_start3A_65 = arith.constant 0 : i32
      %dma_start3A_66 = arith.constant 0 : i32
      %dma_start3A_67 = tpu.memref_slice %arg5[%add3A, %dma_start3A_65, %dma_start3A_66] : memref<32x4x16xf32, #tpu.memory_space<hbm>> -> memref<1x4x16xf32, #tpu.memory_space<hbm>>
      %dma_start3A_68 = tpu.memref_squeeze %dma_start3A_67 : memref<1x4x16xf32, #tpu.memory_space<hbm>> -> memref<4x16xf32, #tpu.memory_space<hbm>>
      tpu.enqueue_dma source(%arg12 : memref<4x16xf32, #tpu.memory_space<vmem>>) target(%dma_start3A_68 : memref<4x16xf32, #tpu.memory_space<hbm>>) target_semaphore(%run_scoped3A : memref<!tpu.dma_semaphore, #tpu.memory_space<semaphore_mem>>)
      %dma_wait3A = arith.constant 0 : i32
      %dma_wait3A_69 = arith.constant 0 : i32
      %dma_wait3A_70 = tpu.memref_slice %arg5[%add3A, %dma_wait3A, %dma_wait3A_69] : memref<32x4x16xf32, #tpu.memory_space<hbm>> -> memref<1x4x16xf32, #tpu.memory_space<hbm>>
      %dma_wait3A_71 = tpu.memref_squeeze %dma_wait3A_70 : memref<1x4x16xf32, #tpu.memory_space<hbm>> -> memref<4x16xf32, #tpu.memory_space<hbm>>
      %dma_wait3A_72 = arith.constant 0 : i32
      %dma_wait3A_73 = arith.constant 0 : i32
      %dma_wait3A_74 = tpu.memref_slice %arg5[%add3A, %dma_wait3A_72, %dma_wait3A_73] : memref<32x4x16xf32, #tpu.memory_space<hbm>> -> memref<1x4x16xf32, #tpu.memory_space<hbm>>
      %dma_wait3A_75 = tpu.memref_squeeze %dma_wait3A_74 : memref<1x4x16xf32, #tpu.memory_space<hbm>> -> memref<4x16xf32, #tpu.memory_space<hbm>>
      tpu.wait_dma2 semaphore(%run_scoped3A : memref<!tpu.dma_semaphore, #tpu.memory_space<semaphore_mem>>) src(%arg12 : memref<4x16xf32, #tpu.memory_space<vmem>>) dst(%dma_wait3A_75 : memref<4x16xf32, #tpu.memory_space<hbm>>)
      tpu.yield
    }) : () -> ()
    return
  }
}

module attributes {stable_mosaic.version = 14 : i64} {
  func.func @body(%arg0: i32, %arg1: i32, %arg2: memref<1x2x512x128xf32, #tpu.memory_space<vmem>>, %arg3: memref<1x2x512x128xf32, #tpu.memory_space<vmem>>, %arg4: memref<1x2x512x128xf32, #tpu.memory_space<vmem>>, %arg5: memref<1x512x128xi32, #tpu.memory_space<vmem>>, %arg6: memref<1x512x128xi32, #tpu.memory_space<vmem>>, %arg7: memref<1x512x128xi32, #tpu.memory_space<vmem>>, %arg8: memref<1x2x512x128xf32, #tpu.memory_space<vmem>>, %arg9: memref<1x512x128xf32, #tpu.memory_space<vmem>>, %arg10: memref<1x512x128xf32, #tpu.memory_space<vmem>>, %arg11: memref<1x128xf32, #tpu.memory_space<vmem>>, %arg12: memref<48x128xf32, #tpu.memory_space<vmem>>) attributes {dimension_semantics = [#tpu.dimension_semantics<arbitrary>, #tpu.dimension_semantics<arbitrary>], iteration_bounds = array<i64: 8, 4>, scalar_prefetch = 0 : i64, scratch_operands = 1 : i64, tpu.core_type = #tpu.core_type<tc>, window_params = [{transform_indices = @transform_0, window_bounds = array<i64: 1, 2, 512, 128>}, {transform_indices = @transform_1, window_bounds = array<i64: 1, 2, 512, 128>}, {transform_indices = @transform_2, window_bounds = array<i64: 1, 2, 512, 128>}, {transform_indices = @transform_3, window_bounds = array<i64: 1, 512, 128>}, {transform_indices = @transform_4, window_bounds = array<i64: 1, 512, 128>}, {transform_indices = @transform_5, window_bounds = array<i64: 1, 512, 128>}, {transform_indices = @transform_6, window_bounds = array<i64: 1, 2, 512, 128>}, {transform_indices = @transform_7, window_bounds = array<i64: 1, 512, 128>}, {transform_indices = @transform_8, window_bounds = array<i64: 1, 512, 128>}, {pipeline_mode = #tpu.pipeline_mode<synchronous>, transform_indices = @transform_9, window_bounds = array<i64: 1, 128>}]} {
    %mul3A = arith.constant 4 : i32
    %mul3A_0 = arith.muli %arg0, %mul3A : i32
    %add3A = arith.addi %mul3A_0, %arg1 : i32
    %eq3A = arith.constant 0 : i32
    %eq3A_1 = arith.cmpi eq, %add3A, %eq3A : i32
    %convert_element_type3A = arith.extui %eq3A_1 : i1 to i32
    %cond3A = arith.constant 0 : i32
    %cond3A_2 = arith.cmpi ne, %convert_element_type3A, %cond3A : i32
    scf.if %cond3A_2 {
      %broadcast_in_dim3A_234 = arith.constant 0.000000e+00 : f32
      %broadcast_in_dim3A_235 = vector.broadcast %broadcast_in_dim3A_234 : f32 to vector<48x128xf32>
      %swap3A_236 = arith.constant 0 : index
      %swap3A_237 = arith.constant 0 : index
      %swap3A_238 = vector.load %arg12[%swap3A_236, %swap3A_237] : memref<48x128xf32, #tpu.memory_space<vmem>>, vector<48x128xf32>
      tpu.vector_store %arg12[%swap3A_236, %swap3A_237], %broadcast_in_dim3A_235 {strides = array<i32>} : memref<48x128xf32, #tpu.memory_space<vmem>>, vector<48x128xf32>,
    } else {
    }
    %get3A = arith.constant 0 : index
    %get3A_3 = arith.constant 0 : index
    %get3A_4 = arith.constant 0 : index
    %get3A_5 = vector.load %arg5[%get3A, %get3A_3, %get3A_4] : memref<1x512x128xi32, #tpu.memory_space<vmem>>, vector<1x512x128xi32>
    %get3A_6 = vector.shape_cast %get3A_5 : vector<1x512x128xi32> to vector<512x128xi32>
    %get3A_7 = arith.constant 0 : index
    %get3A_8 = arith.constant 0 : index
    %get3A_9 = arith.constant 0 : index
    %get3A_10 = vector.load %arg6[%get3A_7, %get3A_8, %get3A_9] : memref<1x512x128xi32, #tpu.memory_space<vmem>>, vector<1x512x128xi32>
    %get3A_11 = vector.shape_cast %get3A_10 : vector<1x512x128xi32> to vector<512x128xi32>
    %get3A_12 = arith.constant 0 : index
    %get3A_13 = arith.constant 0 : index
    %get3A_14 = arith.constant 0 : index
    %get3A_15 = vector.load %arg7[%get3A_12, %get3A_13, %get3A_14] : memref<1x512x128xi32, #tpu.memory_space<vmem>>, vector<1x512x128xi32>
    %get3A_16 = vector.shape_cast %get3A_15 : vector<1x512x128xi32> to vector<512x128xi32>
    %mul3A_17 = arith.muli %get3A_6, %get3A_11 : vector<512x128xi32>
    %convert_element_type3A_18 = arith.sitofp %mul3A_17 : vector<512x128xi32> to vector<512x128xf32>
    %get3A_19 = arith.constant 0 : index
    %get3A_20 = arith.constant 0 : index
    %get3A_21 = arith.constant 0 : index
    %get3A_22 = arith.constant 0 : index
    %get3A_23 = vector.load %arg2[%get3A_19, %get3A_20, %get3A_21, %get3A_22] : memref<1x2x512x128xf32, #tpu.memory_space<vmem>>, vector<1x1x512x128xf32>
    %get3A_24 = vector.shape_cast %get3A_23 : vector<1x1x512x128xf32> to vector<512x128xf32>
    %get3A_25 = arith.constant 0 : index
    %get3A_26 = arith.constant 1 : index
    %get3A_27 = arith.constant 0 : index
    %get3A_28 = arith.constant 0 : index
    %get3A_29 = vector.load %arg2[%get3A_25, %get3A_26, %get3A_27, %get3A_28] : memref<1x2x512x128xf32, #tpu.memory_space<vmem>>, vector<1x1x512x128xf32>
    %get3A_30 = vector.shape_cast %get3A_29 : vector<1x1x512x128xf32> to vector<512x128xf32>
    %max3A = arith.maximumf %get3A_24, %get3A_30 : vector<512x128xf32>
    %sub3A = arith.subf %get3A_24, %get3A_30 : vector<512x128xf32>
    %abs3A = math.absf %sub3A : vector<512x128xf32>
    %neg3A = arith.constant 0.000000e+00 : f32
    %neg3A_31 = vector.broadcast %neg3A : f32 to vector<512x128xf32>
    %neg3A_32 = arith.subf %neg3A_31, %abs3A : vector<512x128xf32>
    %exp3A = math.exp %neg3A_32 : vector<512x128xf32>
    %add3A_33 = arith.constant 1.000000e+00 : f32
    %add3A_34 = vector.broadcast %add3A_33 : f32 to vector<512x128xf32>
    %add3A_35 = arith.addf %add3A_34, %exp3A : vector<512x128xf32>
    %log3A = math.log %add3A_35 : vector<512x128xf32>
    %eq3A_36 = arith.constant 1 : i32
    %eq3A_37 = vector.broadcast %eq3A_36 : i32 to vector<512x128xi32>
    %eq3A_38 = arith.cmpi eq, %get3A_16, %eq3A_37 : vector<512x128xi32>
    %select_n3A = arith.select %eq3A_38, %get3A_30, %get3A_24 : vector<512x128xi1>, vector<512x128xf32>
    %sub3A_39 = arith.subf %max3A, %select_n3A : vector<512x128xf32>
    %add3A_40 = arith.addf %sub3A_39, %log3A : vector<512x128xf32>
    %get3A_41 = arith.constant 0 : index
    %get3A_42 = arith.constant 0 : index
    %get3A_43 = arith.constant 0 : index
    %get3A_44 = arith.constant 0 : index
    %get3A_45 = vector.load %arg3[%get3A_41, %get3A_42, %get3A_43, %get3A_44] : memref<1x2x512x128xf32, #tpu.memory_space<vmem>>, vector<1x1x512x128xf32>
    %get3A_46 = vector.shape_cast %get3A_45 : vector<1x1x512x128xf32> to vector<512x128xf32>
    %get3A_47 = arith.constant 0 : index
    %get3A_48 = arith.constant 1 : index
    %get3A_49 = arith.constant 0 : index
    %get3A_50 = arith.constant 0 : index
    %get3A_51 = vector.load %arg3[%get3A_47, %get3A_48, %get3A_49, %get3A_50] : memref<1x2x512x128xf32, #tpu.memory_space<vmem>>, vector<1x1x512x128xf32>
    %get3A_52 = vector.shape_cast %get3A_51 : vector<1x1x512x128xf32> to vector<512x128xf32>
    %mul3A_53 = arith.mulf %get3A_46, %get3A_46 : vector<512x128xf32>
    %mul3A_54 = arith.mulf %get3A_52, %get3A_52 : vector<512x128xf32>
    %add3A_55 = arith.addf %mul3A_53, %mul3A_54 : vector<512x128xf32>
    %add3A_56 = arith.constant 9.99999974E-5 : f32
    %add3A_57 = vector.broadcast %add3A_56 : f32 to vector<512x128xf32>
    %add3A_58 = arith.addf %add3A_55, %add3A_57 : vector<512x128xf32>
    %rsqrt3A = math.rsqrt %add3A_58 : vector<512x128xf32>
    %mul3A_59 = arith.mulf %get3A_46, %rsqrt3A : vector<512x128xf32>
    %mul3A_60 = arith.mulf %get3A_52, %rsqrt3A : vector<512x128xf32>
    %get3A_61 = arith.constant 0 : index
    %get3A_62 = arith.constant 0 : index
    %get3A_63 = arith.constant 0 : index
    %get3A_64 = arith.constant 0 : index
    %get3A_65 = vector.load %arg4[%get3A_61, %get3A_62, %get3A_63, %get3A_64] : memref<1x2x512x128xf32, #tpu.memory_space<vmem>>, vector<1x1x512x128xf32>
    %get3A_66 = vector.shape_cast %get3A_65 : vector<1x1x512x128xf32> to vector<512x128xf32>
    %get3A_67 = arith.constant 0 : index
    %get3A_68 = arith.constant 1 : index
    %get3A_69 = arith.constant 0 : index
    %get3A_70 = arith.constant 0 : index
    %get3A_71 = vector.load %arg4[%get3A_67, %get3A_68, %get3A_69, %get3A_70] : memref<1x2x512x128xf32, #tpu.memory_space<vmem>>, vector<1x1x512x128xf32>
    %get3A_72 = vector.shape_cast %get3A_71 : vector<1x1x512x128xf32> to vector<512x128xf32>
    %get3A_73 = arith.constant 0 : index
    %get3A_74 = arith.constant 0 : index
    %get3A_75 = arith.constant 0 : index
    %get3A_76 = arith.constant 0 : index
    %get3A_77 = vector.load %arg8[%get3A_73, %get3A_74, %get3A_75, %get3A_76] : memref<1x2x512x128xf32, #tpu.memory_space<vmem>>, vector<1x1x512x128xf32>
    %get3A_78 = vector.shape_cast %get3A_77 : vector<1x1x512x128xf32> to vector<512x128xf32>
    %get3A_79 = arith.constant 0 : index
    %get3A_80 = arith.constant 1 : index
    %get3A_81 = arith.constant 0 : index
    %get3A_82 = arith.constant 0 : index
    %get3A_83 = vector.load %arg8[%get3A_79, %get3A_80, %get3A_81, %get3A_82] : memref<1x2x512x128xf32, #tpu.memory_space<vmem>>, vector<1x1x512x128xf32>
    %get3A_84 = vector.shape_cast %get3A_83 : vector<1x1x512x128xf32> to vector<512x128xf32>
    %add3A_85 = arith.constant 0.00999999977 : f32
    %add3A_86 = vector.broadcast %add3A_85 : f32 to vector<512x128xf32>
    %add3A_87 = arith.addf %get3A_78, %add3A_86 : vector<512x128xf32>
    %div3A = arith.divf %get3A_66, %add3A_87 : vector<512x128xf32>
    %sub3A_88 = arith.constant 1.000000e+00 : f32
    %sub3A_89 = vector.broadcast %sub3A_88 : f32 to vector<512x128xf32>
    %sub3A_90 = arith.subf %div3A, %sub3A_89 : vector<512x128xf32>
    %abs3A_91 = math.absf %sub3A_90 : vector<512x128xf32>
    %lt3A = arith.constant 1.000000e+00 : f32
    %lt3A_92 = vector.broadcast %lt3A : f32 to vector<512x128xf32>
    %lt3A_93 = arith.cmpf olt, %abs3A_91, %lt3A_92 : vector<512x128xf32>
    %mul3A_94 = arith.constant 5.000000e-01 : f32
    %mul3A_95 = vector.broadcast %mul3A_94 : f32 to vector<512x128xf32>
    %mul3A_96 = arith.mulf %mul3A_95, %abs3A_91 : vector<512x128xf32>
    %mul3A_97 = arith.mulf %mul3A_96, %abs3A_91 : vector<512x128xf32>
    %sub3A_98 = arith.constant 5.000000e-01 : f32
    %sub3A_99 = vector.broadcast %sub3A_98 : f32 to vector<512x128xf32>
    %sub3A_100 = arith.subf %abs3A_91, %sub3A_99 : vector<512x128xf32>
    %select_n3A_101 = arith.select %lt3A_93, %mul3A_97, %sub3A_100 : vector<512x128xi1>, vector<512x128xf32>
    %add3A_102 = arith.constant 0.00999999977 : f32
    %add3A_103 = vector.broadcast %add3A_102 : f32 to vector<512x128xf32>
    %add3A_104 = arith.addf %get3A_84, %add3A_103 : vector<512x128xf32>
    %div3A_105 = arith.divf %get3A_72, %add3A_104 : vector<512x128xf32>
    %sub3A_106 = arith.constant 1.000000e+00 : f32
    %sub3A_107 = vector.broadcast %sub3A_106 : f32 to vector<512x128xf32>
    %sub3A_108 = arith.subf %div3A_105, %sub3A_107 : vector<512x128xf32>
    %abs3A_109 = math.absf %sub3A_108 : vector<512x128xf32>
    %lt3A_110 = arith.constant 1.000000e+00 : f32
    %lt3A_111 = vector.broadcast %lt3A_110 : f32 to vector<512x128xf32>
    %lt3A_112 = arith.cmpf olt, %abs3A_109, %lt3A_111 : vector<512x128xf32>
    %mul3A_113 = arith.constant 5.000000e-01 : f32
    %mul3A_114 = vector.broadcast %mul3A_113 : f32 to vector<512x128xf32>
    %mul3A_115 = arith.mulf %mul3A_114, %abs3A_109 : vector<512x128xf32>
    %mul3A_116 = arith.mulf %mul3A_115, %abs3A_109 : vector<512x128xf32>
    %sub3A_117 = arith.constant 5.000000e-01 : f32
    %sub3A_118 = vector.broadcast %sub3A_117 : f32 to vector<512x128xf32>
    %sub3A_119 = arith.subf %abs3A_109, %sub3A_118 : vector<512x128xf32>
    %select_n3A_120 = arith.select %lt3A_112, %mul3A_116, %sub3A_119 : vector<512x128xi1>, vector<512x128xf32>
    %add3A_121 = arith.addf %select_n3A_101, %select_n3A_120 : vector<512x128xf32>
    %eq3A_122 = arith.constant 1 : i32
    %eq3A_123 = vector.broadcast %eq3A_122 : i32 to vector<512x128xi32>
    %eq3A_124 = arith.cmpi eq, %get3A_16, %eq3A_123 : vector<512x128xi32>
    %mul3A_125 = arith.mulf %convert_element_type3A_18, %add3A_40 : vector<512x128xf32>
    %convert_element_type3A_126 = arith.sitofp %get3A_16 : vector<512x128xi32> to vector<512x128xf32>
    %mul3A_127 = arith.muli %get3A_11, %get3A_16 : vector<512x128xi32>
    %convert_element_type3A_128 = arith.sitofp %mul3A_127 : vector<512x128xi32> to vector<512x128xf32>
    %jit3A = arith.constant 0.000000e+00 : f32
    %broadcast_in_dim3A = vector.broadcast %jit3A : f32 to vector<512x128xf32>
    %select_n3A_129 = arith.select %eq3A_124, %add3A_121, %broadcast_in_dim3A : vector<512x128xi1>, vector<512x128xf32>
    %get3A_130 = arith.constant 0 : index
    %get3A_131 = arith.constant 0 : index
    %get3A_132 = arith.constant 0 : index
    %get3A_133 = vector.load %arg9[%get3A_130, %get3A_131, %get3A_132] : memref<1x512x128xf32, #tpu.memory_space<vmem>>, vector<1x512x128xf32>
    %get3A_134 = vector.shape_cast %get3A_133 : vector<1x512x128xf32> to vector<512x128xf32>
    %sub3A_135 = arith.subf %mul3A_59, %get3A_134 : vector<512x128xf32>
    %abs3A_136 = math.absf %sub3A_135 : vector<512x128xf32>
    %lt3A_137 = arith.constant 0.111111112 : f32
    %lt3A_138 = vector.broadcast %lt3A_137 : f32 to vector<512x128xf32>
    %lt3A_139 = arith.cmpf olt, %abs3A_136, %lt3A_138 : vector<512x128xf32>
    %mul3A_140 = arith.constant 4.500000e+00 : f32
    %mul3A_141 = vector.broadcast %mul3A_140 : f32 to vector<512x128xf32>
    %mul3A_142 = arith.mulf %mul3A_141, %abs3A_136 : vector<512x128xf32>
    %mul3A_143 = arith.mulf %mul3A_142, %abs3A_136 : vector<512x128xf32>
    %sub3A_144 = arith.constant 0.055555556 : f32
    %sub3A_145 = vector.broadcast %sub3A_144 : f32 to vector<512x128xf32>
    %sub3A_146 = arith.subf %abs3A_136, %sub3A_145 : vector<512x128xf32>
    %select_n3A_147 = arith.select %lt3A_139, %mul3A_143, %sub3A_146 : vector<512x128xi1>, vector<512x128xf32>
    %jit3A_148 = arith.constant 0.000000e+00 : f32
    %broadcast_in_dim3A_149 = vector.broadcast %jit3A_148 : f32 to vector<512x128xf32>
    %select_n3A_150 = arith.select %eq3A_124, %select_n3A_147, %broadcast_in_dim3A_149 : vector<512x128xi1>, vector<512x128xf32>
    %get3A_151 = arith.constant 0 : index
    %get3A_152 = arith.constant 0 : index
    %get3A_153 = arith.constant 0 : index
    %get3A_154 = vector.load %arg10[%get3A_151, %get3A_152, %get3A_153] : memref<1x512x128xf32, #tpu.memory_space<vmem>>, vector<1x512x128xf32>
    %get3A_155 = vector.shape_cast %get3A_154 : vector<1x512x128xf32> to vector<512x128xf32>
    %sub3A_156 = arith.subf %mul3A_60, %get3A_155 : vector<512x128xf32>
    %abs3A_157 = math.absf %sub3A_156 : vector<512x128xf32>
    %lt3A_158 = arith.constant 0.111111112 : f32
    %lt3A_159 = vector.broadcast %lt3A_158 : f32 to vector<512x128xf32>
    %lt3A_160 = arith.cmpf olt, %abs3A_157, %lt3A_159 : vector<512x128xf32>
    %mul3A_161 = arith.constant 4.500000e+00 : f32
    %mul3A_162 = vector.broadcast %mul3A_161 : f32 to vector<512x128xf32>
    %mul3A_163 = arith.mulf %mul3A_162, %abs3A_157 : vector<512x128xf32>
    %mul3A_164 = arith.mulf %mul3A_163, %abs3A_157 : vector<512x128xf32>
    %sub3A_165 = arith.constant 0.055555556 : f32
    %sub3A_166 = vector.broadcast %sub3A_165 : f32 to vector<512x128xf32>
    %sub3A_167 = arith.subf %abs3A_157, %sub3A_166 : vector<512x128xf32>
    %select_n3A_168 = arith.select %lt3A_160, %mul3A_164, %sub3A_167 : vector<512x128xi1>, vector<512x128xf32>
    %jit3A_169 = arith.constant 0.000000e+00 : f32
    %broadcast_in_dim3A_170 = vector.broadcast %jit3A_169 : f32 to vector<512x128xf32>
    %select_n3A_171 = arith.select %eq3A_124, %select_n3A_168, %broadcast_in_dim3A_170 : vector<512x128xi1>, vector<512x128xf32>
    %get3A_172 = arith.constant 0 : index
    %get3A_173 = arith.constant 0 : index
    %get3A_174 = vector.load %arg12[%get3A_172, %get3A_173] : memref<48x128xf32, #tpu.memory_space<vmem>>, vector<8x128xf32>
    %reshape3A = vector.shape_cast %mul3A_125 : vector<512x128xf32> to vector<64x8x128xf32>
    %reduce_sum3A = arith.constant dense<0.000000e+00> : vector<8x128xf32>
    %reduce_sum3A_175 = vector.multi_reduction <add>, %reshape3A, %reduce_sum3A [0] : vector<64x8x128xf32> to vector<8x128xf32>
    %add3A_176 = arith.addf %get3A_174, %reduce_sum3A_175 : vector<8x128xf32>
    %swap3A = arith.constant 0 : index
    %swap3A_177 = arith.constant 0 : index
    %swap3A_178 = vector.load %arg12[%swap3A, %swap3A_177] : memref<48x128xf32, #tpu.memory_space<vmem>>, vector<8x128xf32>
    tpu.vector_store %arg12[%swap3A, %swap3A_177], %add3A_176 {strides = array<i32>} : memref<48x128xf32, #tpu.memory_space<vmem>>, vector<8x128xf32>,
    %get3A_179 = arith.constant 8 : index
    %get3A_180 = arith.constant 0 : index
    %get3A_181 = vector.load %arg12[%get3A_179, %get3A_180] : memref<48x128xf32, #tpu.memory_space<vmem>>, vector<8x128xf32>
    %reshape3A_182 = vector.shape_cast %convert_element_type3A_126 : vector<512x128xf32> to vector<64x8x128xf32>
    %reduce_sum3A_183 = arith.constant dense<0.000000e+00> : vector<8x128xf32>
    %reduce_sum3A_184 = vector.multi_reduction <add>, %reshape3A_182, %reduce_sum3A_183 [0] : vector<64x8x128xf32> to vector<8x128xf32>
    %add3A_185 = arith.addf %get3A_181, %reduce_sum3A_184 : vector<8x128xf32>
    %swap3A_186 = arith.constant 8 : index
    %swap3A_187 = arith.constant 0 : index
    %swap3A_188 = vector.load %arg12[%swap3A_186, %swap3A_187] : memref<48x128xf32, #tpu.memory_space<vmem>>, vector<8x128xf32>
    tpu.vector_store %arg12[%swap3A_186, %swap3A_187], %add3A_185 {strides = array<i32>} : memref<48x128xf32, #tpu.memory_space<vmem>>, vector<8x128xf32>,
    %get3A_189 = arith.constant 16 : index
    %get3A_190 = arith.constant 0 : index
    %get3A_191 = vector.load %arg12[%get3A_189, %get3A_190] : memref<48x128xf32, #tpu.memory_space<vmem>>, vector<8x128xf32>
    %reshape3A_192 = vector.shape_cast %convert_element_type3A_128 : vector<512x128xf32> to vector<64x8x128xf32>
    %reduce_sum3A_193 = arith.constant dense<0.000000e+00> : vector<8x128xf32>
    %reduce_sum3A_194 = vector.multi_reduction <add>, %reshape3A_192, %reduce_sum3A_193 [0] : vector<64x8x128xf32> to vector<8x128xf32>
    %add3A_195 = arith.addf %get3A_191, %reduce_sum3A_194 : vector<8x128xf32>
    %swap3A_196 = arith.constant 16 : index
    %swap3A_197 = arith.constant 0 : index
    %swap3A_198 = vector.load %arg12[%swap3A_196, %swap3A_197] : memref<48x128xf32, #tpu.memory_space<vmem>>, vector<8x128xf32>
    tpu.vector_store %arg12[%swap3A_196, %swap3A_197], %add3A_195 {strides = array<i32>} : memref<48x128xf32, #tpu.memory_space<vmem>>, vector<8x128xf32>,
    %get3A_199 = arith.constant 24 : index
    %get3A_200 = arith.constant 0 : index
    %get3A_201 = vector.load %arg12[%get3A_199, %get3A_200] : memref<48x128xf32, #tpu.memory_space<vmem>>, vector<8x128xf32>
    %reshape3A_202 = vector.shape_cast %select_n3A_129 : vector<512x128xf32> to vector<64x8x128xf32>
    %reduce_sum3A_203 = arith.constant dense<0.000000e+00> : vector<8x128xf32>
    %reduce_sum3A_204 = vector.multi_reduction <add>, %reshape3A_202, %reduce_sum3A_203 [0] : vector<64x8x128xf32> to vector<8x128xf32>
    %add3A_205 = arith.addf %get3A_201, %reduce_sum3A_204 : vector<8x128xf32>
    %swap3A_206 = arith.constant 24 : index
    %swap3A_207 = arith.constant 0 : index
    %swap3A_208 = vector.load %arg12[%swap3A_206, %swap3A_207] : memref<48x128xf32, #tpu.memory_space<vmem>>, vector<8x128xf32>
    tpu.vector_store %arg12[%swap3A_206, %swap3A_207], %add3A_205 {strides = array<i32>} : memref<48x128xf32, #tpu.memory_space<vmem>>, vector<8x128xf32>,
    %get3A_209 = arith.constant 32 : index
    %get3A_210 = arith.constant 0 : index
    %get3A_211 = vector.load %arg12[%get3A_209, %get3A_210] : memref<48x128xf32, #tpu.memory_space<vmem>>, vector<8x128xf32>
    %reshape3A_212 = vector.shape_cast %select_n3A_150 : vector<512x128xf32> to vector<64x8x128xf32>
    %reduce_sum3A_213 = arith.constant dense<0.000000e+00> : vector<8x128xf32>
    %reduce_sum3A_214 = vector.multi_reduction <add>, %reshape3A_212, %reduce_sum3A_213 [0] : vector<64x8x128xf32> to vector<8x128xf32>
    %add3A_215 = arith.addf %get3A_211, %reduce_sum3A_214 : vector<8x128xf32>
    %swap3A_216 = arith.constant 32 : index
    %swap3A_217 = arith.constant 0 : index
    %swap3A_218 = vector.load %arg12[%swap3A_216, %swap3A_217] : memref<48x128xf32, #tpu.memory_space<vmem>>, vector<8x128xf32>
    tpu.vector_store %arg12[%swap3A_216, %swap3A_217], %add3A_215 {strides = array<i32>} : memref<48x128xf32, #tpu.memory_space<vmem>>, vector<8x128xf32>,
    %get3A_219 = arith.constant 40 : index
    %get3A_220 = arith.constant 0 : index
    %get3A_221 = vector.load %arg12[%get3A_219, %get3A_220] : memref<48x128xf32, #tpu.memory_space<vmem>>, vector<8x128xf32>
    %reshape3A_222 = vector.shape_cast %select_n3A_171 : vector<512x128xf32> to vector<64x8x128xf32>
    %reduce_sum3A_223 = arith.constant dense<0.000000e+00> : vector<8x128xf32>
    %reduce_sum3A_224 = vector.multi_reduction <add>, %reshape3A_222, %reduce_sum3A_223 [0] : vector<64x8x128xf32> to vector<8x128xf32>
    %add3A_225 = arith.addf %get3A_221, %reduce_sum3A_224 : vector<8x128xf32>
    %swap3A_226 = arith.constant 40 : index
    %swap3A_227 = arith.constant 0 : index
    %swap3A_228 = vector.load %arg12[%swap3A_226, %swap3A_227] : memref<48x128xf32, #tpu.memory_space<vmem>>, vector<8x128xf32>
    tpu.vector_store %arg12[%swap3A_226, %swap3A_227], %add3A_225 {strides = array<i32>} : memref<48x128xf32, #tpu.memory_space<vmem>>, vector<8x128xf32>,
    %eq3A_229 = arith.constant 31 : i32
    %eq3A_230 = arith.cmpi eq, %add3A, %eq3A_229 : i32
    %convert_element_type3A_231 = arith.extui %eq3A_230 : i1 to i32
    %cond3A_232 = arith.constant 0 : i32
    %cond3A_233 = arith.cmpi ne, %convert_element_type3A_231, %cond3A_232 : i32
    scf.if %cond3A_233 {
      %get3A_234 = arith.constant 0 : index
      %get3A_235 = arith.constant 0 : index
      %get3A_236 = vector.load %arg12[%get3A_234, %get3A_235] : memref<48x128xf32, #tpu.memory_space<vmem>>, vector<8x128xf32>
      %reduce_sum3A_237 = vector.shape_cast %get3A_236 : vector<8x128xf32> to vector<1x8x128xf32>
      %reduce_sum3A_238 = arith.constant dense<0.000000e+00> : vector<1xf32>
      %reduce_sum3A_239 = vector.multi_reduction <add>, %reduce_sum3A_237, %reduce_sum3A_238 [1, 2] : vector<1x8x128xf32> to vector<1xf32>
      %reduce_sum3A_240 = vector.shape_cast %reduce_sum3A_239 : vector<1xf32> to vector<1x1x1xf32>
      %reduce_sum3A_241 = vector.extract %reduce_sum3A_240[0, 0, 0] : f32 from vector<1x1x1xf32>
      %get3A_242 = arith.constant 8 : index
      %get3A_243 = arith.constant 0 : index
      %get3A_244 = vector.load %arg12[%get3A_242, %get3A_243] : memref<48x128xf32, #tpu.memory_space<vmem>>, vector<8x128xf32>
      %reduce_sum3A_245 = vector.shape_cast %get3A_244 : vector<8x128xf32> to vector<1x8x128xf32>
      %reduce_sum3A_246 = arith.constant dense<0.000000e+00> : vector<1xf32>
      %reduce_sum3A_247 = vector.multi_reduction <add>, %reduce_sum3A_245, %reduce_sum3A_246 [1, 2] : vector<1x8x128xf32> to vector<1xf32>
      %reduce_sum3A_248 = vector.shape_cast %reduce_sum3A_247 : vector<1xf32> to vector<1x1x1xf32>
      %reduce_sum3A_249 = vector.extract %reduce_sum3A_248[0, 0, 0] : f32 from vector<1x1x1xf32>
      %get3A_250 = arith.constant 16 : index
      %get3A_251 = arith.constant 0 : index
      %get3A_252 = vector.load %arg12[%get3A_250, %get3A_251] : memref<48x128xf32, #tpu.memory_space<vmem>>, vector<8x128xf32>
      %reduce_sum3A_253 = vector.shape_cast %get3A_252 : vector<8x128xf32> to vector<1x8x128xf32>
      %reduce_sum3A_254 = arith.constant dense<0.000000e+00> : vector<1xf32>
      %reduce_sum3A_255 = vector.multi_reduction <add>, %reduce_sum3A_253, %reduce_sum3A_254 [1, 2] : vector<1x8x128xf32> to vector<1xf32>
      %reduce_sum3A_256 = vector.shape_cast %reduce_sum3A_255 : vector<1xf32> to vector<1x1x1xf32>
      %reduce_sum3A_257 = vector.extract %reduce_sum3A_256[0, 0, 0] : f32 from vector<1x1x1xf32>
      %get3A_258 = arith.constant 24 : index
      %get3A_259 = arith.constant 0 : index
      %get3A_260 = vector.load %arg12[%get3A_258, %get3A_259] : memref<48x128xf32, #tpu.memory_space<vmem>>, vector<8x128xf32>
      %reduce_sum3A_261 = vector.shape_cast %get3A_260 : vector<8x128xf32> to vector<1x8x128xf32>
      %reduce_sum3A_262 = arith.constant dense<0.000000e+00> : vector<1xf32>
      %reduce_sum3A_263 = vector.multi_reduction <add>, %reduce_sum3A_261, %reduce_sum3A_262 [1, 2] : vector<1x8x128xf32> to vector<1xf32>
      %reduce_sum3A_264 = vector.shape_cast %reduce_sum3A_263 : vector<1xf32> to vector<1x1x1xf32>
      %reduce_sum3A_265 = vector.extract %reduce_sum3A_264[0, 0, 0] : f32 from vector<1x1x1xf32>
      %get3A_266 = arith.constant 32 : index
      %get3A_267 = arith.constant 0 : index
      %get3A_268 = vector.load %arg12[%get3A_266, %get3A_267] : memref<48x128xf32, #tpu.memory_space<vmem>>, vector<8x128xf32>
      %reduce_sum3A_269 = vector.shape_cast %get3A_268 : vector<8x128xf32> to vector<1x8x128xf32>
      %reduce_sum3A_270 = arith.constant dense<0.000000e+00> : vector<1xf32>
      %reduce_sum3A_271 = vector.multi_reduction <add>, %reduce_sum3A_269, %reduce_sum3A_270 [1, 2] : vector<1x8x128xf32> to vector<1xf32>
      %reduce_sum3A_272 = vector.shape_cast %reduce_sum3A_271 : vector<1xf32> to vector<1x1x1xf32>
      %reduce_sum3A_273 = vector.extract %reduce_sum3A_272[0, 0, 0] : f32 from vector<1x1x1xf32>
      %get3A_274 = arith.constant 40 : index
      %get3A_275 = arith.constant 0 : index
      %get3A_276 = vector.load %arg12[%get3A_274, %get3A_275] : memref<48x128xf32, #tpu.memory_space<vmem>>, vector<8x128xf32>
      %reduce_sum3A_277 = vector.shape_cast %get3A_276 : vector<8x128xf32> to vector<1x8x128xf32>
      %reduce_sum3A_278 = arith.constant dense<0.000000e+00> : vector<1xf32>
      %reduce_sum3A_279 = vector.multi_reduction <add>, %reduce_sum3A_277, %reduce_sum3A_278 [1, 2] : vector<1x8x128xf32> to vector<1xf32>
      %reduce_sum3A_280 = vector.shape_cast %reduce_sum3A_279 : vector<1xf32> to vector<1x1x1xf32>
      %reduce_sum3A_281 = vector.extract %reduce_sum3A_280[0, 0, 0] : f32 from vector<1x1x1xf32>
      %iota3A = tpu.iota {dimensions = array<i32: 1>} : vector<1x128xi32>
      %broadcast_in_dim3A_282 = arith.constant 0.000000e+00 : f32
      %broadcast_in_dim3A_283 = vector.broadcast %broadcast_in_dim3A_282 : f32 to vector<1x128xf32>
      %eq3A_284 = arith.constant 0 : i32
      %eq3A_285 = vector.broadcast %eq3A_284 : i32 to vector<1x128xi32>
      %eq3A_286 = arith.cmpi eq, %iota3A, %eq3A_285 : vector<1x128xi32>
      %jit3A_287 = arith.constant 0.000000e+00 : f32
      %broadcast_in_dim3A_288 = vector.broadcast %reduce_sum3A_241 : f32 to vector<1x128xf32>
      %broadcast_in_dim3A_289 = vector.broadcast %jit3A_287 : f32 to vector<1x128xf32>
      %select_n3A_290 = arith.select %eq3A_286, %broadcast_in_dim3A_288, %broadcast_in_dim3A_289 : vector<1x128xi1>, vector<1x128xf32>
      %add3A_291 = arith.addf %broadcast_in_dim3A_283, %select_n3A_290 : vector<1x128xf32>
      %eq3A_292 = arith.constant 1 : i32
      %eq3A_293 = vector.broadcast %eq3A_292 : i32 to vector<1x128xi32>
      %eq3A_294 = arith.cmpi eq, %iota3A, %eq3A_293 : vector<1x128xi32>
      %jit3A_295 = arith.constant 0.000000e+00 : f32
      %broadcast_in_dim3A_296 = vector.broadcast %reduce_sum3A_249 : f32 to vector<1x128xf32>
      %broadcast_in_dim3A_297 = vector.broadcast %jit3A_295 : f32 to vector<1x128xf32>
      %select_n3A_298 = arith.select %eq3A_294, %broadcast_in_dim3A_296, %broadcast_in_dim3A_297 : vector<1x128xi1>, vector<1x128xf32>
      %add3A_299 = arith.addf %add3A_291, %select_n3A_298 : vector<1x128xf32>
      %eq3A_300 = arith.constant 2 : i32
      %eq3A_301 = vector.broadcast %eq3A_300 : i32 to vector<1x128xi32>
      %eq3A_302 = arith.cmpi eq, %iota3A, %eq3A_301 : vector<1x128xi32>
      %jit3A_303 = arith.constant 0.000000e+00 : f32
      %broadcast_in_dim3A_304 = vector.broadcast %reduce_sum3A_257 : f32 to vector<1x128xf32>
      %broadcast_in_dim3A_305 = vector.broadcast %jit3A_303 : f32 to vector<1x128xf32>
      %select_n3A_306 = arith.select %eq3A_302, %broadcast_in_dim3A_304, %broadcast_in_dim3A_305 : vector<1x128xi1>, vector<1x128xf32>
      %add3A_307 = arith.addf %add3A_299, %select_n3A_306 : vector<1x128xf32>
      %eq3A_308 = arith.constant 3 : i32
      %eq3A_309 = vector.broadcast %eq3A_308 : i32 to vector<1x128xi32>
      %eq3A_310 = arith.cmpi eq, %iota3A, %eq3A_309 : vector<1x128xi32>
      %jit3A_311 = arith.constant 0.000000e+00 : f32
      %broadcast_in_dim3A_312 = vector.broadcast %reduce_sum3A_265 : f32 to vector<1x128xf32>
      %broadcast_in_dim3A_313 = vector.broadcast %jit3A_311 : f32 to vector<1x128xf32>
      %select_n3A_314 = arith.select %eq3A_310, %broadcast_in_dim3A_312, %broadcast_in_dim3A_313 : vector<1x128xi1>, vector<1x128xf32>
      %add3A_315 = arith.addf %add3A_307, %select_n3A_314 : vector<1x128xf32>
      %eq3A_316 = arith.constant 4 : i32
      %eq3A_317 = vector.broadcast %eq3A_316 : i32 to vector<1x128xi32>
      %eq3A_318 = arith.cmpi eq, %iota3A, %eq3A_317 : vector<1x128xi32>
      %jit3A_319 = arith.constant 0.000000e+00 : f32
      %broadcast_in_dim3A_320 = vector.broadcast %reduce_sum3A_273 : f32 to vector<1x128xf32>
      %broadcast_in_dim3A_321 = vector.broadcast %jit3A_319 : f32 to vector<1x128xf32>
      %select_n3A_322 = arith.select %eq3A_318, %broadcast_in_dim3A_320, %broadcast_in_dim3A_321 : vector<1x128xi1>, vector<1x128xf32>
      %add3A_323 = arith.addf %add3A_315, %select_n3A_322 : vector<1x128xf32>
      %eq3A_324 = arith.constant 5 : i32
      %eq3A_325 = vector.broadcast %eq3A_324 : i32 to vector<1x128xi32>
      %eq3A_326 = arith.cmpi eq, %iota3A, %eq3A_325 : vector<1x128xi32>
      %jit3A_327 = arith.constant 0.000000e+00 : f32
      %broadcast_in_dim3A_328 = vector.broadcast %reduce_sum3A_281 : f32 to vector<1x128xf32>
      %broadcast_in_dim3A_329 = vector.broadcast %jit3A_327 : f32 to vector<1x128xf32>
      %select_n3A_330 = arith.select %eq3A_326, %broadcast_in_dim3A_328, %broadcast_in_dim3A_329 : vector<1x128xi1>, vector<1x128xf32>
      %add3A_331 = arith.addf %add3A_323, %select_n3A_330 : vector<1x128xf32>
      %swap3A_332 = arith.constant 0 : index
      %swap3A_333 = arith.constant 0 : index
      %swap3A_334 = vector.load %arg11[%swap3A_332, %swap3A_333] : memref<1x128xf32, #tpu.memory_space<vmem>>, vector<1x128xf32>
      tpu.vector_store %arg11[%swap3A_332, %swap3A_333], %add3A_331 {strides = array<i32>} : memref<1x128xf32, #tpu.memory_space<vmem>>, vector<1x128xf32>,
    } else {
    }
    return
  }
  func.func @transform_0(%arg0: i32, %arg1: i32) -> (i32, i32, i32, i32) {
    %c1_i32 = arith.constant 1 : i32
    %c0_i32 = arith.constant 0 : i32
    %c0_i32_0 = arith.constant 0 : i32
    return %arg0, %c1_i32, %arg1, %c0_i32 : i32, i32, i32, i32
  }
  func.func @transform_1(%arg0: i32, %arg1: i32) -> (i32, i32, i32, i32) {
    %c2_i32 = arith.constant 2 : i32
    %c0_i32 = arith.constant 0 : i32
    %c0_i32_0 = arith.constant 0 : i32
    return %arg0, %c2_i32, %arg1, %c0_i32 : i32, i32, i32, i32
  }
  func.func @transform_2(%arg0: i32, %arg1: i32) -> (i32, i32, i32, i32) {
    %c3_i32 = arith.constant 3 : i32
    %c0_i32 = arith.constant 0 : i32
    %c0_i32_0 = arith.constant 0 : i32
    return %arg0, %c3_i32, %arg1, %c0_i32 : i32, i32, i32, i32
  }
  func.func @transform_3(%arg0: i32, %arg1: i32) -> (i32, i32, i32) {
    %c0_i32 = arith.constant 0 : i32
    %c0_i32_0 = arith.constant 0 : i32
    return %arg0, %arg1, %c0_i32 : i32, i32, i32
  }
  func.func @transform_4(%arg0: i32, %arg1: i32) -> (i32, i32, i32) {
    %c0_i32 = arith.constant 0 : i32
    %c0_i32_0 = arith.constant 0 : i32
    return %arg0, %arg1, %c0_i32 : i32, i32, i32
  }
  func.func @transform_5(%arg0: i32, %arg1: i32) -> (i32, i32, i32) {
    %c0_i32 = arith.constant 0 : i32
    %c0_i32_0 = arith.constant 0 : i32
    return %arg0, %arg1, %c0_i32 : i32, i32, i32
  }
  func.func @transform_6(%arg0: i32, %arg1: i32) -> (i32, i32, i32, i32) {
    %c0_i32 = arith.constant 0 : i32
    %c0_i32_0 = arith.constant 0 : i32
    %c0_i32_1 = arith.constant 0 : i32
    return %arg0, %c0_i32, %arg1, %c0_i32_0 : i32, i32, i32, i32
  }
  func.func @transform_7(%arg0: i32, %arg1: i32) -> (i32, i32, i32) {
    %c0_i32 = arith.constant 0 : i32
    %c0_i32_0 = arith.constant 0 : i32
    return %arg0, %arg1, %c0_i32 : i32, i32, i32
  }
  func.func @transform_8(%arg0: i32, %arg1: i32) -> (i32, i32, i32) {
    %c0_i32 = arith.constant 0 : i32
    %c0_i32_0 = arith.constant 0 : i32
    return %arg0, %arg1, %c0_i32 : i32, i32, i32
  }
  func.func @transform_9(%arg0: i32, %arg1: i32) -> (i32, i32) {
    %c0_i32 = arith.constant 0 : i32
    %c0_i32_0 = arith.constant 0 : i32
    %c0_i32_1 = arith.constant 0 : i32
    return %c0_i32, %c0_i32_0 : i32, i32
  }
}

module attributes {stable_mosaic.version = 14 : i64} {
  func.func @body(%arg0: memref<16x128xf32, #tpu.memory_space<vmem>>, %arg1: memref<1x128xf32, #tpu.memory_space<vmem>>, %arg2: memref<2x8x128xf32, #tpu.memory_space<vmem>>, %arg3: memref<8x128xi32, #tpu.memory_space<vmem>>, %arg4: memref<16384x128xf32, #tpu.memory_space<hbm>>, %arg5: memref<1x128xf32, #tpu.memory_space<vmem>>, %arg6: memref<16384x128xf32, #tpu.memory_space<vmem>>, %arg7: memref<1xf32, #tpu.memory_space<smem>>, %arg8: memref<!tpu.dma_semaphore, #tpu.memory_space<semaphore_mem>>) attributes {dimension_semantics = [], scalar_prefetch = 0 : i64, scratch_operands = 3 : i64, tpu.core_type = #tpu.core_type<tc>} {
    %get3A = arith.constant 0 : index
    %get3A_0 = arith.constant 0 : index
    %get3A_1 = vector.load %arg0[%get3A, %get3A_0] : memref<16x128xf32, #tpu.memory_space<vmem>>, vector<16x128xf32>
    %iota3A = tpu.iota {dimensions = array<i32: 1>} : vector<16x128xi32>
    %jit3A = arith.constant 64 : i32
    %eq3A = arith.constant 0 : i32
    %eq3A_2 = arith.cmpi eq, %jit3A, %eq3A : i32
    %jit3A_3 = arith.constant 1 : i32
    %select_n3A = arith.select %eq3A_2, %jit3A_3, %jit3A : i32
    %rem3A = vector.broadcast %select_n3A : i32 to vector<16x128xi32>
    %rem3A_4 = arith.remsi %iota3A, %rem3A : vector<16x128xi32>
    %ne3A = arith.constant 0 : i32
    %ne3A_5 = vector.broadcast %ne3A : i32 to vector<16x128xi32>
    %ne3A_6 = arith.cmpi ne, %rem3A_4, %ne3A_5 : vector<16x128xi32>
    %lt3A = arith.constant 0 : i32
    %lt3A_7 = vector.broadcast %lt3A : i32 to vector<16x128xi32>
    %lt3A_8 = arith.cmpi slt, %rem3A_4, %lt3A_7 : vector<16x128xi32>
    %lt3A_9 = arith.constant 0 : i32
    %lt3A_10 = arith.cmpi slt, %select_n3A, %lt3A_9 : i32
    %ne3A_11 = vector.broadcast %lt3A_10 : i1 to vector<16x128xi1>
    %ne3A_12 = vector.broadcast %ne3A_11 : vector<16x128xi1> to vector<16x128xi1>
    %ne3A_13 = arith.xori %lt3A_8, %ne3A_12 : vector<16x128xi1>
    %and3A = arith.andi %ne3A_13, %ne3A_6 : vector<16x128xi1>
    %add3A = vector.broadcast %select_n3A : i32 to vector<16x128xi32>
    %add3A_14 = arith.addi %rem3A_4, %add3A : vector<16x128xi32>
    %select_n3A_15 = arith.select %and3A, %add3A_14, %rem3A_4 : vector<16x128xi1>, vector<16x128xi32>
    %jit3A_16 = arith.constant 16 : i32
    %div3A = vector.broadcast %jit3A_16 : i32 to vector<16x128xi32>
    %div3A_17 = arith.divsi %select_n3A_15, %div3A : vector<16x128xi32>
    %sign3A = arith.constant 0 : i32
    %sign3A_18 = vector.broadcast %sign3A : i32 to vector<16x128xi32>
    %sign3A_19 = arith.cmpi sgt, %select_n3A_15, %sign3A_18 : vector<16x128xi32>
    %sign3A_20 = arith.extui %sign3A_19 : vector<16x128xi1> to vector<16x128xi32>
    %sign3A_21 = arith.constant 0 : i32
    %sign3A_22 = vector.broadcast %sign3A_21 : i32 to vector<16x128xi32>
    %sign3A_23 = arith.cmpi slt, %select_n3A_15, %sign3A_22 : vector<16x128xi32>
    %sign3A_24 = arith.extui %sign3A_23 : vector<16x128xi1> to vector<16x128xi32>
    %sign3A_25 = arith.subi %sign3A_20, %sign3A_24 : vector<16x128xi32>
    %sign3A_26 = arith.constant 0 : i32
    %sign3A_27 = arith.cmpi sgt, %jit3A_16, %sign3A_26 : i32
    %sign3A_28 = arith.extui %sign3A_27 : i1 to i32
    %sign3A_29 = arith.constant 0 : i32
    %sign3A_30 = arith.cmpi slt, %jit3A_16, %sign3A_29 : i32
    %sign3A_31 = arith.extui %sign3A_30 : i1 to i32
    %sign3A_32 = arith.subi %sign3A_28, %sign3A_31 : i32
    %ne3A_33 = vector.broadcast %sign3A_32 : i32 to vector<16x128xi32>
    %ne3A_34 = arith.cmpi ne, %sign3A_25, %ne3A_33 : vector<16x128xi32>
    %rem3A_35 = vector.broadcast %jit3A_16 : i32 to vector<16x128xi32>
    %rem3A_36 = arith.remsi %select_n3A_15, %rem3A_35 : vector<16x128xi32>
    %ne3A_37 = arith.constant 0 : i32
    %ne3A_38 = vector.broadcast %ne3A_37 : i32 to vector<16x128xi32>
    %ne3A_39 = arith.cmpi ne, %rem3A_36, %ne3A_38 : vector<16x128xi32>
    %and3A_40 = arith.andi %ne3A_34, %ne3A_39 : vector<16x128xi1>
    %sub3A = arith.constant 1 : i32
    %sub3A_41 = vector.broadcast %sub3A : i32 to vector<16x128xi32>
    %sub3A_42 = arith.subi %div3A_17, %sub3A_41 : vector<16x128xi32>
    %select_n3A_43 = arith.select %and3A_40, %sub3A_42, %div3A_17 : vector<16x128xi1>, vector<16x128xi32>
    %eq3A_44 = arith.constant 0 : i32
    %eq3A_45 = vector.broadcast %eq3A_44 : i32 to vector<16x128xi32>
    %eq3A_46 = arith.cmpi eq, %select_n3A_43, %eq3A_45 : vector<16x128xi32>
    %jit3A_47 = arith.constant 0.000000e+00 : f32
    %broadcast_in_dim3A = vector.broadcast %jit3A_47 : f32 to vector<16x128xf32>
    %select_n3A_48 = arith.select %eq3A_46, %get3A_1, %broadcast_in_dim3A : vector<16x128xi1>, vector<16x128xf32>
    %reduce_sum3A = vector.shape_cast %select_n3A_48 : vector<16x128xf32> to vector<1x16x128xf32>
    %reduce_sum3A_49 = arith.constant dense<0.000000e+00> : vector<1xf32>
    %reduce_sum3A_50 = vector.multi_reduction <add>, %reduce_sum3A, %reduce_sum3A_49 [1, 2] : vector<1x16x128xf32> to vector<1xf32>
    %reduce_sum3A_51 = vector.shape_cast %reduce_sum3A_50 : vector<1xf32> to vector<1x1x1xf32>
    %reduce_sum3A_52 = vector.extract %reduce_sum3A_51[0, 0, 0] : f32 from vector<1x1x1xf32>
    %eq3A_53 = arith.constant 1 : i32
    %eq3A_54 = vector.broadcast %eq3A_53 : i32 to vector<16x128xi32>
    %eq3A_55 = arith.cmpi eq, %select_n3A_43, %eq3A_54 : vector<16x128xi32>
    %jit3A_56 = arith.constant 0.000000e+00 : f32
    %broadcast_in_dim3A_57 = vector.broadcast %jit3A_56 : f32 to vector<16x128xf32>
    %select_n3A_58 = arith.select %eq3A_55, %get3A_1, %broadcast_in_dim3A_57 : vector<16x128xi1>, vector<16x128xf32>
    %reduce_sum3A_59 = vector.shape_cast %select_n3A_58 : vector<16x128xf32> to vector<1x16x128xf32>
    %reduce_sum3A_60 = arith.constant dense<0.000000e+00> : vector<1xf32>
    %reduce_sum3A_61 = vector.multi_reduction <add>, %reduce_sum3A_59, %reduce_sum3A_60 [1, 2] : vector<1x16x128xf32> to vector<1xf32>
    %reduce_sum3A_62 = vector.shape_cast %reduce_sum3A_61 : vector<1xf32> to vector<1x1x1xf32>
    %reduce_sum3A_63 = vector.extract %reduce_sum3A_62[0, 0, 0] : f32 from vector<1x1x1xf32>
    %eq3A_64 = arith.constant 2 : i32
    %eq3A_65 = vector.broadcast %eq3A_64 : i32 to vector<16x128xi32>
    %eq3A_66 = arith.cmpi eq, %select_n3A_43, %eq3A_65 : vector<16x128xi32>
    %jit3A_67 = arith.constant 0.000000e+00 : f32
    %broadcast_in_dim3A_68 = vector.broadcast %jit3A_67 : f32 to vector<16x128xf32>
    %select_n3A_69 = arith.select %eq3A_66, %get3A_1, %broadcast_in_dim3A_68 : vector<16x128xi1>, vector<16x128xf32>
    %reduce_sum3A_70 = vector.shape_cast %select_n3A_69 : vector<16x128xf32> to vector<1x16x128xf32>
    %reduce_sum3A_71 = arith.constant dense<0.000000e+00> : vector<1xf32>
    %reduce_sum3A_72 = vector.multi_reduction <add>, %reduce_sum3A_70, %reduce_sum3A_71 [1, 2] : vector<1x16x128xf32> to vector<1xf32>
    %reduce_sum3A_73 = vector.shape_cast %reduce_sum3A_72 : vector<1xf32> to vector<1x1x1xf32>
    %reduce_sum3A_74 = vector.extract %reduce_sum3A_73[0, 0, 0] : f32 from vector<1x1x1xf32>
    %eq3A_75 = arith.constant 3 : i32
    %eq3A_76 = vector.broadcast %eq3A_75 : i32 to vector<16x128xi32>
    %eq3A_77 = arith.cmpi eq, %select_n3A_43, %eq3A_76 : vector<16x128xi32>
    %jit3A_78 = arith.constant 0.000000e+00 : f32
    %broadcast_in_dim3A_79 = vector.broadcast %jit3A_78 : f32 to vector<16x128xf32>
    %select_n3A_80 = arith.select %eq3A_77, %get3A_1, %broadcast_in_dim3A_79 : vector<16x128xi1>, vector<16x128xf32>
    %reduce_sum3A_81 = vector.shape_cast %select_n3A_80 : vector<16x128xf32> to vector<1x16x128xf32>
    %reduce_sum3A_82 = arith.constant dense<0.000000e+00> : vector<1xf32>
    %reduce_sum3A_83 = vector.multi_reduction <add>, %reduce_sum3A_81, %reduce_sum3A_82 [1, 2] : vector<1x16x128xf32> to vector<1xf32>
    %reduce_sum3A_84 = vector.shape_cast %reduce_sum3A_83 : vector<1xf32> to vector<1x1x1xf32>
    %reduce_sum3A_85 = vector.extract %reduce_sum3A_84[0, 0, 0] : f32 from vector<1x1x1xf32>
    %get3A_86 = arith.constant 0 : index
    %get3A_87 = arith.constant 0 : index
    %get3A_88 = vector.load %arg1[%get3A_86, %get3A_87] : memref<1x128xf32, #tpu.memory_space<vmem>>, vector<1x128xf32>
    %iota3A_89 = tpu.iota {dimensions = array<i32: 1>} : vector<1x128xi32>
    %eq3A_90 = arith.constant 0 : i32
    %eq3A_91 = vector.broadcast %eq3A_90 : i32 to vector<1x128xi32>
    %eq3A_92 = arith.cmpi eq, %iota3A_89, %eq3A_91 : vector<1x128xi32>
    %jit3A_93 = arith.constant 0.000000e+00 : f32
    %broadcast_in_dim3A_94 = vector.broadcast %jit3A_93 : f32 to vector<1x128xf32>
    %select_n3A_95 = arith.select %eq3A_92, %get3A_88, %broadcast_in_dim3A_94 : vector<1x128xi1>, vector<1x128xf32>
    %reduce_sum3A_96 = vector.shape_cast %select_n3A_95 : vector<1x128xf32> to vector<1x1x128xf32>
    %reduce_sum3A_97 = arith.constant dense<0.000000e+00> : vector<1xf32>
    %reduce_sum3A_98 = vector.multi_reduction <add>, %reduce_sum3A_96, %reduce_sum3A_97 [1, 2] : vector<1x1x128xf32> to vector<1xf32>
    %reduce_sum3A_99 = vector.shape_cast %reduce_sum3A_98 : vector<1xf32> to vector<1x1x1xf32>
    %reduce_sum3A_100 = vector.extract %reduce_sum3A_99[0, 0, 0] : f32 from vector<1x1x1xf32>
    %eq3A_101 = arith.constant 1 : i32
    %eq3A_102 = vector.broadcast %eq3A_101 : i32 to vector<1x128xi32>
    %eq3A_103 = arith.cmpi eq, %iota3A_89, %eq3A_102 : vector<1x128xi32>
    %jit3A_104 = arith.constant 0.000000e+00 : f32
    %broadcast_in_dim3A_105 = vector.broadcast %jit3A_104 : f32 to vector<1x128xf32>
    %select_n3A_106 = arith.select %eq3A_103, %get3A_88, %broadcast_in_dim3A_105 : vector<1x128xi1>, vector<1x128xf32>
    %reduce_sum3A_107 = vector.shape_cast %select_n3A_106 : vector<1x128xf32> to vector<1x1x128xf32>
    %reduce_sum3A_108 = arith.constant dense<0.000000e+00> : vector<1xf32>
    %reduce_sum3A_109 = vector.multi_reduction <add>, %reduce_sum3A_107, %reduce_sum3A_108 [1, 2] : vector<1x1x128xf32> to vector<1xf32>
    %reduce_sum3A_110 = vector.shape_cast %reduce_sum3A_109 : vector<1xf32> to vector<1x1x1xf32>
    %reduce_sum3A_111 = vector.extract %reduce_sum3A_110[0, 0, 0] : f32 from vector<1x1x1xf32>
    %eq3A_112 = arith.constant 2 : i32
    %eq3A_113 = vector.broadcast %eq3A_112 : i32 to vector<1x128xi32>
    %eq3A_114 = arith.cmpi eq, %iota3A_89, %eq3A_113 : vector<1x128xi32>
    %jit3A_115 = arith.constant 0.000000e+00 : f32
    %broadcast_in_dim3A_116 = vector.broadcast %jit3A_115 : f32 to vector<1x128xf32>
    %select_n3A_117 = arith.select %eq3A_114, %get3A_88, %broadcast_in_dim3A_116 : vector<1x128xi1>, vector<1x128xf32>
    %reduce_sum3A_118 = vector.shape_cast %select_n3A_117 : vector<1x128xf32> to vector<1x1x128xf32>
    %reduce_sum3A_119 = arith.constant dense<0.000000e+00> : vector<1xf32>
    %reduce_sum3A_120 = vector.multi_reduction <add>, %reduce_sum3A_118, %reduce_sum3A_119 [1, 2] : vector<1x1x128xf32> to vector<1xf32>
    %reduce_sum3A_121 = vector.shape_cast %reduce_sum3A_120 : vector<1xf32> to vector<1x1x1xf32>
    %reduce_sum3A_122 = vector.extract %reduce_sum3A_121[0, 0, 0] : f32 from vector<1x1x1xf32>
    %eq3A_123 = arith.constant 3 : i32
    %eq3A_124 = vector.broadcast %eq3A_123 : i32 to vector<1x128xi32>
    %eq3A_125 = arith.cmpi eq, %iota3A_89, %eq3A_124 : vector<1x128xi32>
    %jit3A_126 = arith.constant 0.000000e+00 : f32
    %broadcast_in_dim3A_127 = vector.broadcast %jit3A_126 : f32 to vector<1x128xf32>
    %select_n3A_128 = arith.select %eq3A_125, %get3A_88, %broadcast_in_dim3A_127 : vector<1x128xi1>, vector<1x128xf32>
    %reduce_sum3A_129 = vector.shape_cast %select_n3A_128 : vector<1x128xf32> to vector<1x1x128xf32>
    %reduce_sum3A_130 = arith.constant dense<0.000000e+00> : vector<1xf32>
    %reduce_sum3A_131 = vector.multi_reduction <add>, %reduce_sum3A_129, %reduce_sum3A_130 [1, 2] : vector<1x1x128xf32> to vector<1xf32>
    %reduce_sum3A_132 = vector.shape_cast %reduce_sum3A_131 : vector<1xf32> to vector<1x1x1xf32>
    %reduce_sum3A_133 = vector.extract %reduce_sum3A_132[0, 0, 0] : f32 from vector<1x1x1xf32>
    %eq3A_134 = arith.constant 4 : i32
    %eq3A_135 = vector.broadcast %eq3A_134 : i32 to vector<1x128xi32>
    %eq3A_136 = arith.cmpi eq, %iota3A_89, %eq3A_135 : vector<1x128xi32>
    %jit3A_137 = arith.constant 0.000000e+00 : f32
    %broadcast_in_dim3A_138 = vector.broadcast %jit3A_137 : f32 to vector<1x128xf32>
    %select_n3A_139 = arith.select %eq3A_136, %get3A_88, %broadcast_in_dim3A_138 : vector<1x128xi1>, vector<1x128xf32>
    %reduce_sum3A_140 = vector.shape_cast %select_n3A_139 : vector<1x128xf32> to vector<1x1x128xf32>
    %reduce_sum3A_141 = arith.constant dense<0.000000e+00> : vector<1xf32>
    %reduce_sum3A_142 = vector.multi_reduction <add>, %reduce_sum3A_140, %reduce_sum3A_141 [1, 2] : vector<1x1x128xf32> to vector<1xf32>
    %reduce_sum3A_143 = vector.shape_cast %reduce_sum3A_142 : vector<1xf32> to vector<1x1x1xf32>
    %reduce_sum3A_144 = vector.extract %reduce_sum3A_143[0, 0, 0] : f32 from vector<1x1x1xf32>
    %eq3A_145 = arith.constant 5 : i32
    %eq3A_146 = vector.broadcast %eq3A_145 : i32 to vector<1x128xi32>
    %eq3A_147 = arith.cmpi eq, %iota3A_89, %eq3A_146 : vector<1x128xi32>
    %jit3A_148 = arith.constant 0.000000e+00 : f32
    %broadcast_in_dim3A_149 = vector.broadcast %jit3A_148 : f32 to vector<1x128xf32>
    %select_n3A_150 = arith.select %eq3A_147, %get3A_88, %broadcast_in_dim3A_149 : vector<1x128xi1>, vector<1x128xf32>
    %reduce_sum3A_151 = vector.shape_cast %select_n3A_150 : vector<1x128xf32> to vector<1x1x128xf32>
    %reduce_sum3A_152 = arith.constant dense<0.000000e+00> : vector<1xf32>
    %reduce_sum3A_153 = vector.multi_reduction <add>, %reduce_sum3A_151, %reduce_sum3A_152 [1, 2] : vector<1x1x128xf32> to vector<1xf32>
    %reduce_sum3A_154 = vector.shape_cast %reduce_sum3A_153 : vector<1xf32> to vector<1x1x1xf32>
    %reduce_sum3A_155 = vector.extract %reduce_sum3A_154[0, 0, 0] : f32 from vector<1x1x1xf32>
    %gt3A = arith.constant 0.000000e+00 : f32
    %gt3A_156 = arith.cmpf ogt, %reduce_sum3A_52, %gt3A : f32
    %mul3A = arith.constant 3.000000e+00 : f32
    %mul3A_157 = arith.mulf %mul3A, %reduce_sum3A_52 : f32
    %floor3A = math.floor %mul3A_157 : f32
    %min3A = arith.minimumf %reduce_sum3A_63, %floor3A : f32
    %jit3A_158 = arith.constant 1.000000e+02 : f32
    %select_n3A_159 = arith.select %gt3A_156, %min3A, %jit3A_158 : f32
    %swap3A = arith.constant 0 : index
    %swap3A_160 = memref.load %arg7[%swap3A] : memref<1xf32, #tpu.memory_space<smem>>
    memref.store %reduce_sum3A_85, %arg7[%swap3A] : memref<1xf32, #tpu.memory_space<smem>>
    %lt3A_161 = arith.cmpf olt, %select_n3A_159, %reduce_sum3A_63 : f32
    %convert_element_type3A = arith.extui %lt3A_161 : i1 to i32
    %cond3A = arith.constant 0 : i32
    %cond3A_162 = arith.cmpi ne, %convert_element_type3A, %cond3A : i32
    scf.if %cond3A_162 {
      tpu.enqueue_dma source(%arg4 : memref<16384x128xf32, #tpu.memory_space<hbm>>) target(%arg6 : memref<16384x128xf32, #tpu.memory_space<vmem>>) target_semaphore(%arg8 : memref<!tpu.dma_semaphore, #tpu.memory_space<semaphore_mem>>)
      tpu.wait_dma2 semaphore(%arg8 : memref<!tpu.dma_semaphore, #tpu.memory_space<semaphore_mem>>) src(%arg4 : memref<16384x128xf32, #tpu.memory_space<hbm>>) dst(%arg6 : memref<16384x128xf32, #tpu.memory_space<vmem>>)
      %scan3A = arith.constant 0 : i32
      %scan3A_270 = arith.constant 0 : i32
      %scan3A_271 = arith.constant 31 : i32
      %scan3A_272 = arith.addi %scan3A_270, %scan3A_271 : i32
      %scan3A_273 = arith.constant 1 : i32
      %scan3A_274 = scf.for %scan3A_289 = %scan3A_270 to %scan3A_272 step %scan3A_273 iter_args(%scan3A_290 = %scan3A) -> (i32)  : i32 {
        %sub3A_291 = arith.constant 30 : i32
        %sub3A_292 = arith.subi %sub3A_291, %scan3A_289 : i32
        %shift_left3A = arith.constant 1 : i32
        %shift_left3A_293 = arith.shli %shift_left3A, %sub3A_292 : i32
        %or3A = arith.ori %scan3A_290, %shift_left3A_293 : i32
        %scan3A_294 = arith.constant 0.000000e+00 : f32
        %scan3A_295 = arith.constant 0 : i32
        %scan3A_296 = arith.constant 32 : i32
        %scan3A_297 = arith.addi %scan3A_295, %scan3A_296 : i32
        %scan3A_298 = arith.constant 1 : i32
        %scan3A_299 = scf.for %scan3A_302 = %scan3A_295 to %scan3A_297 step %scan3A_298 iter_args(%scan3A_303 = %scan3A_294) -> (f32)  : i32 {
          %mul3A_304 = arith.constant 512 : i32
          %mul3A_305 = arith.muli %scan3A_302, %mul3A_304 : i32
          %get3A_306 = arith.index_cast %mul3A_305 : i32 to index
          %get3A_307 = arith.constant 0 : index
          %get3A_308 = vector.load %arg6[%get3A_306, %get3A_307] : memref<16384x128xf32, #tpu.memory_space<vmem>>, vector<512x128xf32>
          %bitcast_convert_type3A_309 = tpu.bitcast %get3A_308 : vector<512x128xf32> -> vector<512x128xi32>
          %ge3A_310 = vector.broadcast %or3A : i32 to vector<512x128xi32>
          %ge3A_311 = arith.cmpi sge, %bitcast_convert_type3A_309, %ge3A_310 : vector<512x128xi32>
          %convert_element_type3A_312 = arith.extui %ge3A_311 : vector<512x128xi1> to vector<512x128xi32>
          %convert_element_type3A_313 = arith.sitofp %convert_element_type3A_312 : vector<512x128xi32> to vector<512x128xf32>
          %reduce_sum3A_314 = vector.shape_cast %convert_element_type3A_313 : vector<512x128xf32> to vector<1x512x128xf32>
          %reduce_sum3A_315 = arith.constant dense<0.000000e+00> : vector<1xf32>
          %reduce_sum3A_316 = vector.multi_reduction <add>, %reduce_sum3A_314, %reduce_sum3A_315 [1, 2] : vector<1x512x128xf32> to vector<1xf32>
          %reduce_sum3A_317 = vector.shape_cast %reduce_sum3A_316 : vector<1xf32> to vector<1x1x1xf32>
          %reduce_sum3A_318 = vector.extract %reduce_sum3A_317[0, 0, 0] : f32 from vector<1x1x1xf32>
          %add3A_319 = arith.addf %scan3A_303, %reduce_sum3A_318 : f32
          scf.yield %add3A_319 : f32
        }
        %scan3A_300 = arith.constant 32 : i32
        %ge3A = arith.cmpf oge, %scan3A_299, %select_n3A_159 : f32
        %select_n3A_301 = arith.select %ge3A, %or3A, %scan3A_290 : i32
        scf.yield %select_n3A_301 : i32
      }
      %scan3A_275 = arith.constant 31 : i32
      %scan3A_276 = arith.constant 0.000000e+00 : f32
      %scan3A_277 = arith.constant 0.000000e+00 : f32
      %scan3A_278 = arith.constant 0 : i32
      %scan3A_279 = arith.constant 32 : i32
      %scan3A_280 = arith.addi %scan3A_278, %scan3A_279 : i32
      %scan3A_281 = arith.constant 1 : i32
      %scan3A_282:2 = scf.for %scan3A_289 = %scan3A_278 to %scan3A_280 step %scan3A_281 iter_args(%scan3A_290 = %scan3A_276, %scan3A_291 = %scan3A_277) -> (f32, f32)  : i32 {
        %mul3A_292 = arith.constant 512 : i32
        %mul3A_293 = arith.muli %scan3A_289, %mul3A_292 : i32
        %get3A_294 = arith.index_cast %mul3A_293 : i32 to index
        %get3A_295 = arith.constant 0 : index
        %get3A_296 = vector.load %arg6[%get3A_294, %get3A_295] : memref<16384x128xf32, #tpu.memory_space<vmem>>, vector<512x128xf32>
        %bitcast_convert_type3A_297 = tpu.bitcast %get3A_296 : vector<512x128xf32> -> vector<512x128xi32>
        %gt3A_298 = vector.broadcast %scan3A_274 : i32 to vector<512x128xi32>
        %gt3A_299 = arith.cmpi sgt, %bitcast_convert_type3A_297, %gt3A_298 : vector<512x128xi32>
        %jit3A_300 = arith.constant 0.000000e+00 : f32
        %broadcast_in_dim3A_301 = vector.broadcast %jit3A_300 : f32 to vector<512x128xf32>
        %select_n3A_302 = arith.select %gt3A_299, %get3A_296, %broadcast_in_dim3A_301 : vector<512x128xi1>, vector<512x128xf32>
        %reduce_sum3A_303 = vector.shape_cast %select_n3A_302 : vector<512x128xf32> to vector<1x512x128xf32>
        %reduce_sum3A_304 = arith.constant dense<0.000000e+00> : vector<1xf32>
        %reduce_sum3A_305 = vector.multi_reduction <add>, %reduce_sum3A_303, %reduce_sum3A_304 [1, 2] : vector<1x512x128xf32> to vector<1xf32>
        %reduce_sum3A_306 = vector.shape_cast %reduce_sum3A_305 : vector<1xf32> to vector<1x1x1xf32>
        %reduce_sum3A_307 = vector.extract %reduce_sum3A_306[0, 0, 0] : f32 from vector<1x1x1xf32>
        %add3A_308 = arith.addf %scan3A_290, %reduce_sum3A_307 : f32
        %convert_element_type3A_309 = arith.extui %gt3A_299 : vector<512x128xi1> to vector<512x128xi32>
        %convert_element_type3A_310 = arith.sitofp %convert_element_type3A_309 : vector<512x128xi32> to vector<512x128xf32>
        %reduce_sum3A_311 = vector.shape_cast %convert_element_type3A_310 : vector<512x128xf32> to vector<1x512x128xf32>
        %reduce_sum3A_312 = arith.constant dense<0.000000e+00> : vector<1xf32>
        %reduce_sum3A_313 = vector.multi_reduction <add>, %reduce_sum3A_311, %reduce_sum3A_312 [1, 2] : vector<1x512x128xf32> to vector<1xf32>
        %reduce_sum3A_314 = vector.shape_cast %reduce_sum3A_313 : vector<1xf32> to vector<1x1x1xf32>
        %reduce_sum3A_315 = vector.extract %reduce_sum3A_314[0, 0, 0] : f32 from vector<1x1x1xf32>
        %add3A_316 = arith.addf %scan3A_291, %reduce_sum3A_315 : f32
        scf.yield %add3A_308, %add3A_316 : f32, f32
      }
      %scan3A_283 = arith.constant 32 : i32
      %bitcast_convert_type3A = arith.bitcast %scan3A_274 : i32 to f32
      %sub3A_284 = arith.subf %select_n3A_159, %scan3A_282#1 : f32
      %mul3A_285 = arith.mulf %sub3A_284, %bitcast_convert_type3A : f32
      %add3A_286 = arith.addf %scan3A_282#0, %mul3A_285 : f32
      %swap3A_287 = arith.constant 0 : index
      %swap3A_288 = memref.load %arg7[%swap3A_287] : memref<1xf32, #tpu.memory_space<smem>>
      memref.store %add3A_286, %arg7[%swap3A_287] : memref<1xf32, #tpu.memory_space<smem>>
    } else {
    }
    %get3A_163 = arith.constant 0 : index
    %get3A_164 = memref.load %arg7[%get3A_163] : memref<1xf32, #tpu.memory_space<smem>>
    %add3A_165 = arith.addf %reduce_sum3A_74, %get3A_164 : f32
    %add3A_166 = arith.addf %reduce_sum3A_52, %select_n3A_159 : f32
    %div3A_167 = arith.divf %add3A_165, %add3A_166 : f32
    %gt3A_168 = arith.constant 0.000000e+00 : f32
    %gt3A_169 = arith.cmpf ogt, %reduce_sum3A_52, %gt3A_168 : f32
    %max3A = arith.constant 1.000000e+00 : f32
    %max3A_170 = arith.maximumf %reduce_sum3A_52, %max3A : f32
    %div3A_171 = arith.divf %reduce_sum3A_100, %max3A_170 : f32
    %jit3A_172 = arith.constant 0.000000e+00 : f32
    %select_n3A_173 = arith.select %gt3A_169, %div3A_171, %jit3A_172 : f32
    %max3A_174 = arith.constant 1.000000e+00 : f32
    %max3A_175 = arith.maximumf %reduce_sum3A_111, %max3A_174 : f32
    %gt3A_176 = arith.constant 0.000000e+00 : f32
    %gt3A_177 = arith.cmpf ogt, %reduce_sum3A_122, %gt3A_176 : f32
    %div3A_178 = arith.divf %reduce_sum3A_133, %max3A_175 : f32
    %jit3A_179 = arith.constant 0.000000e+00 : f32
    %select_n3A_180 = arith.select %gt3A_177, %div3A_178, %jit3A_179 : f32
    %div3A_181 = arith.divf %reduce_sum3A_144, %max3A_175 : f32
    %jit3A_182 = arith.constant 0.000000e+00 : f32
    %select_n3A_183 = arith.select %gt3A_177, %div3A_181, %jit3A_182 : f32
    %div3A_184 = arith.divf %reduce_sum3A_155, %max3A_175 : f32
    %jit3A_185 = arith.constant 0.000000e+00 : f32
    %select_n3A_186 = arith.select %gt3A_177, %div3A_184, %jit3A_185 : f32
    %get3A_187 = arith.constant 0 : index
    %get3A_188 = arith.constant 0 : index
    %get3A_189 = arith.constant 0 : index
    %get3A_190 = vector.load %arg2[%get3A_187, %get3A_188, %get3A_189] : memref<2x8x128xf32, #tpu.memory_space<vmem>>, vector<1x8x128xf32>
    %get3A_191 = vector.shape_cast %get3A_190 : vector<1x8x128xf32> to vector<8x128xf32>
    %get3A_192 = arith.constant 1 : index
    %get3A_193 = arith.constant 0 : index
    %get3A_194 = arith.constant 0 : index
    %get3A_195 = vector.load %arg2[%get3A_192, %get3A_193, %get3A_194] : memref<2x8x128xf32, #tpu.memory_space<vmem>>, vector<1x8x128xf32>
    %get3A_196 = vector.shape_cast %get3A_195 : vector<1x8x128xf32> to vector<8x128xf32>
    %get3A_197 = arith.constant 0 : index
    %get3A_198 = arith.constant 0 : index
    %get3A_199 = vector.load %arg3[%get3A_197, %get3A_198] : memref<8x128xi32, #tpu.memory_space<vmem>>, vector<8x128xi32>
    %max3A_200 = arith.maximumf %get3A_191, %get3A_196 : vector<8x128xf32>
    %sub3A_201 = arith.subf %get3A_191, %get3A_196 : vector<8x128xf32>
    %abs3A = math.absf %sub3A_201 : vector<8x128xf32>
    %neg3A = arith.constant 0.000000e+00 : f32
    %neg3A_202 = vector.broadcast %neg3A : f32 to vector<8x128xf32>
    %neg3A_203 = arith.subf %neg3A_202, %abs3A : vector<8x128xf32>
    %exp3A = math.exp %neg3A_203 : vector<8x128xf32>
    %add3A_204 = arith.constant 1.000000e+00 : f32
    %add3A_205 = vector.broadcast %add3A_204 : f32 to vector<8x128xf32>
    %add3A_206 = arith.addf %add3A_205, %exp3A : vector<8x128xf32>
    %log3A = math.log %add3A_206 : vector<8x128xf32>
    %eq3A_207 = arith.constant 1 : i32
    %eq3A_208 = vector.broadcast %eq3A_207 : i32 to vector<8x128xi32>
    %eq3A_209 = arith.cmpi eq, %get3A_199, %eq3A_208 : vector<8x128xi32>
    %select_n3A_210 = arith.select %eq3A_209, %get3A_196, %get3A_191 : vector<8x128xi1>, vector<8x128xf32>
    %sub3A_211 = arith.subf %max3A_200, %select_n3A_210 : vector<8x128xf32>
    %add3A_212 = arith.addf %sub3A_211, %log3A : vector<8x128xf32>
    %reduce_sum3A_213 = vector.shape_cast %add3A_212 : vector<8x128xf32> to vector<1x8x128xf32>
    %reduce_sum3A_214 = arith.constant dense<0.000000e+00> : vector<1xf32>
    %reduce_sum3A_215 = vector.multi_reduction <add>, %reduce_sum3A_213, %reduce_sum3A_214 [1, 2] : vector<1x8x128xf32> to vector<1xf32>
    %reduce_sum3A_216 = vector.shape_cast %reduce_sum3A_215 : vector<1xf32> to vector<1x1x1xf32>
    %reduce_sum3A_217 = vector.extract %reduce_sum3A_216[0, 0, 0] : f32 from vector<1x1x1xf32>
    %div3A_218 = arith.constant 1.024000e+03 : f32
    %div3A_219 = arith.divf %reduce_sum3A_217, %div3A_218 : f32
    %eq3A_220 = arith.constant 0 : i32
    %eq3A_221 = vector.broadcast %eq3A_220 : i32 to vector<1x128xi32>
    %eq3A_222 = arith.cmpi eq, %iota3A_89, %eq3A_221 : vector<1x128xi32>
    %jit3A_223 = arith.constant 0.000000e+00 : f32
    %broadcast_in_dim3A_224 = vector.broadcast %div3A_167 : f32 to vector<1x128xf32>
    %broadcast_in_dim3A_225 = vector.broadcast %jit3A_223 : f32 to vector<1x128xf32>
    %select_n3A_226 = arith.select %eq3A_222, %broadcast_in_dim3A_224, %broadcast_in_dim3A_225 : vector<1x128xi1>, vector<1x128xf32>
    %eq3A_227 = arith.constant 1 : i32
    %eq3A_228 = vector.broadcast %eq3A_227 : i32 to vector<1x128xi32>
    %eq3A_229 = arith.cmpi eq, %iota3A_89, %eq3A_228 : vector<1x128xi32>
    %jit3A_230 = arith.constant 0.000000e+00 : f32
    %broadcast_in_dim3A_231 = vector.broadcast %select_n3A_173 : f32 to vector<1x128xf32>
    %broadcast_in_dim3A_232 = vector.broadcast %jit3A_230 : f32 to vector<1x128xf32>
    %select_n3A_233 = arith.select %eq3A_229, %broadcast_in_dim3A_231, %broadcast_in_dim3A_232 : vector<1x128xi1>, vector<1x128xf32>
    %add3A_234 = arith.addf %select_n3A_226, %select_n3A_233 : vector<1x128xf32>
    %eq3A_235 = arith.constant 2 : i32
    %eq3A_236 = vector.broadcast %eq3A_235 : i32 to vector<1x128xi32>
    %eq3A_237 = arith.cmpi eq, %iota3A_89, %eq3A_236 : vector<1x128xi32>
    %jit3A_238 = arith.constant 0.000000e+00 : f32
    %broadcast_in_dim3A_239 = vector.broadcast %select_n3A_183 : f32 to vector<1x128xf32>
    %broadcast_in_dim3A_240 = vector.broadcast %jit3A_238 : f32 to vector<1x128xf32>
    %select_n3A_241 = arith.select %eq3A_237, %broadcast_in_dim3A_239, %broadcast_in_dim3A_240 : vector<1x128xi1>, vector<1x128xf32>
    %add3A_242 = arith.addf %add3A_234, %select_n3A_241 : vector<1x128xf32>
    %eq3A_243 = arith.constant 3 : i32
    %eq3A_244 = vector.broadcast %eq3A_243 : i32 to vector<1x128xi32>
    %eq3A_245 = arith.cmpi eq, %iota3A_89, %eq3A_244 : vector<1x128xi32>
    %jit3A_246 = arith.constant 0.000000e+00 : f32
    %broadcast_in_dim3A_247 = vector.broadcast %select_n3A_186 : f32 to vector<1x128xf32>
    %broadcast_in_dim3A_248 = vector.broadcast %jit3A_246 : f32 to vector<1x128xf32>
    %select_n3A_249 = arith.select %eq3A_245, %broadcast_in_dim3A_247, %broadcast_in_dim3A_248 : vector<1x128xi1>, vector<1x128xf32>
    %add3A_250 = arith.addf %add3A_242, %select_n3A_249 : vector<1x128xf32>
    %eq3A_251 = arith.constant 4 : i32
    %eq3A_252 = vector.broadcast %eq3A_251 : i32 to vector<1x128xi32>
    %eq3A_253 = arith.cmpi eq, %iota3A_89, %eq3A_252 : vector<1x128xi32>
    %jit3A_254 = arith.constant 0.000000e+00 : f32
    %broadcast_in_dim3A_255 = vector.broadcast %select_n3A_180 : f32 to vector<1x128xf32>
    %broadcast_in_dim3A_256 = vector.broadcast %jit3A_254 : f32 to vector<1x128xf32>
    %select_n3A_257 = arith.select %eq3A_253, %broadcast_in_dim3A_255, %broadcast_in_dim3A_256 : vector<1x128xi1>, vector<1x128xf32>
    %add3A_258 = arith.addf %add3A_250, %select_n3A_257 : vector<1x128xf32>
    %eq3A_259 = arith.constant 5 : i32
    %eq3A_260 = vector.broadcast %eq3A_259 : i32 to vector<1x128xi32>
    %eq3A_261 = arith.cmpi eq, %iota3A_89, %eq3A_260 : vector<1x128xi32>
    %jit3A_262 = arith.constant 0.000000e+00 : f32
    %broadcast_in_dim3A_263 = vector.broadcast %div3A_219 : f32 to vector<1x128xf32>
    %broadcast_in_dim3A_264 = vector.broadcast %jit3A_262 : f32 to vector<1x128xf32>
    %select_n3A_265 = arith.select %eq3A_261, %broadcast_in_dim3A_263, %broadcast_in_dim3A_264 : vector<1x128xi1>, vector<1x128xf32>
    %add3A_266 = arith.addf %add3A_258, %select_n3A_265 : vector<1x128xf32>
    %swap3A_267 = arith.constant 0 : index
    %swap3A_268 = arith.constant 0 : index
    %swap3A_269 = vector.load %arg5[%swap3A_267, %swap3A_268] : memref<1x128xf32, #tpu.memory_space<vmem>>, vector<1x128xf32>
    tpu.vector_store %arg5[%swap3A_267, %swap3A_268], %add3A_266 {strides = array<i32>} : memref<1x128xf32, #tpu.memory_space<vmem>>, vector<1x128xf32>,
    return
  }
}

</mosaic_0001>

<sc_bundles>
// kernel: kernel.5.cloned.1.call-start
scs
__scs_entry_jumppad:
0x0: {  	(pc) =	sbr.rel $0x88, $3  }
0x1: {  	(tag) =	ssettag $0x0;
	lr =	simm.s32 $0x1  }
0x2: {  	[smem:$0x3F98] =	sst lr;
	_ =	strace $0xD0000000  }
0x3: {  	_ = 	snop  }
0x4: {  	_ = 	snop  }
0x5: {  	_ = 	snop  }
0x6: {  	_ = 	snop  }
0x7: {  	_ = 	snop  }
__scs_overlays_trampoline_lowered:
0x8: {  	[smem:$0x3FA7] =	sst s0  }
0x9: {  	[smem:$0x3FA8] =	sst s1  }
0xa: {  	[smem:$0x3FA9] =	sst s2  }
0xb: {  	[smem:$0x3FAA] =	sst s3  }
0xc: {  	[smem:$0x3FAB] =	sst s4  }
0xd: {  	[smem:$0x3FAC] =	sst s5  }
0xe: {  	[smem:$0x3FAD] =	sst s6  }
0xf: {  	[smem:$0x3FAE] =	sst s7  }
0x10: {  	[smem:$0x3FAF] =	sst s8  }
0x11: {  	[smem:$0x3FB0] =	sst s9;
	s0 =	simm.s32 @!p0 $0x0  }
0x12: {  	s1 =	sld [smem:$0x3F96];
	s0 =	simm.s32 @p0 $0x1  }
0x13: {  	[smem:$0x3FB1] =	sst s0;
	s0 =	simm.s32 @!p1 $0x0  }
0x14: {  	s2 =	sld [smem:$0x3F95];
	s0 =	simm.s32 @p1 $0x1  }
0x15: {  	[smem:$0x3FB2] =	sst s0;
	s0 =	simm.s32 @!p2 $0x0  }
0x16: {  	s3 =	sld [smem:$0x3FDB];
	s0 =	simm.s32 @p2 $0x1  }
0x17: {  	s4 =	simm.s32 $0x1BF5;
	[smem:$0x3FB4] =	sst s0  }
0x18: {  	s0 =	sld [smem:$0x3F97];
	_ =	swait.ge [sflag:s4], $0x0  }
0x19: {  	s7 =	sld [smem:$0x3F98]  }
0x1a: {  	s8 =	sadd.s32 $0xFFFFE003, lr  }
0x1b: {  	s9 =	sadd.s32 $0xFFFFFEF7, lr;
	s5 =	simm.s32 $0xFFFFFFFF;
	p2 =	slt.u32 s8, $0xFFFFF086  }
0x1c: {  	p1 =	slt.u32 s9, $0xF7A;
	s5 =	simm.s32 @!p2 $0x0  }
0x1d: {  	s5 =	simm.s32 @p1 $0x1;
	p0 =	seq.s32 s7, s2  }
0x1e: {  	s7 =	smul.u32 @!p0 $0xF7A, s2;
	p2 =	seq.s32 @!p0 s5, $0x0  }
0x1f: {  	s9 =	smul.u32 $0xF7A, s1;
	s8 =	simm.s32 @!p0 $0x1BF5;
	p2 =	por !p2, p0  }
0x20: {  	[sflag:s8] =	ssyncset.s32 @!p0 $0xFFFFF086;
	s6 =	sadd.s32 @!p0 s3, s7;
	s7 =	simm.s32 @!p0 $0x108  }
0x21: {  	s3 =	sadd.s32 s3, s9;
	s6 =	sadd.s32 @!p0 $0x88, s6;
	s7 =	simm.s32 @p2 $0x1082  }
0x22: {  	[simem:s7], [sflag:s8] =	dma.local @!p0 [hbm:s6], $0xF7A  }
0x23: {  	s9 =	sor.u32 $0xD0000000, s2;
	s6 =	simm.s32 $0x108;
	_ =	swait.ge @!p0 [sflag:s8], $0x0  }
0x24: {  	s3 =	sadd.s32 $0x88, s3;
	s6 =	simm.s32 @!p1 $0x1082;
	[sflag:s4] =	ssyncset.s32 $0xFFFFF086  }
0x25: {  	[simem:s6], [sflag:s4] =	dma.local [hbm:s3], $0xF7A  }
0x26: {  	[smem:$0x3F98] =	sst s1;
	(tag) =	ssettag s2;
	_ =	strace s9  }
0x27: {  	s1 =	sld [smem:$0x3FA8]  }
0x28: {  	s2 =	sld [smem:$0x3FA9]  }
0x29: {  	s4 =	sld [smem:$0x3FAB]  }
0x2a: {  	p0 =	seq.s32 s5, $0x0;
	s5 =	sld [smem:$0x3FAC]  }
0x2b: {  	s6 =	sld [smem:$0x3FAD]  }
0x2c: {  	s7 =	sld [smem:$0x3FAE]  }
0x2d: {  	s3 =	simm.s32 $0x108;
	s8 =	sld [smem:$0x3FAF]  }
0x2e: {  	s3 =	simm.s32 @!p0 $0x1082;
	s9 =	sld [smem:$0x3FB0]  }
0x2f: {  	lr =	sadd.s32 s0, s3;
	s0 =	sld [smem:$0x3FA7]  }
0x30: {  	s3 =	sld [smem:$0x3FAA]  }
0x31: {  	[smem:$0x3FB3] =	sst s10  }
0x32: {  	s10 =	sld [smem:$0x3FB1];
	_ =	sdelay $0x3  }
0x33: {  	p0 =	seq.s32 s10, $0x1;
	s10 =	sld [smem:$0x3FB3];
	_ =	sdelay $0x3  }
0x34: {  	[smem:$0x3FB3] =	sst s10  }
0x35: {  	s10 =	sld [smem:$0x3FB2];
	_ =	sdelay $0x3  }
0x36: {  	p1 =	seq.s32 s10, $0x1;
	s10 =	sld [smem:$0x3FB3];
	_ =	sdelay $0x3  }
0x37: {  	[smem:$0x3FB3] =	sst s10  }
0x38: {  	s10 =	sld [smem:$0x3FB4]  }
0x39: {  	_ = 	snop;
	(pc) =	sbr.ind lr, $3  }
0x3a: {  	_ = 	snop  }
0x3b: {  	_ = 	snop  }
0x3c: {  	p2 =	seq.s32 s10, $0x1;
	s10 =	sld [smem:$0x3FB3]  }
0x3d: {  	_ =	shalt  }
0x3e: {  	_ =	shalt  }
0x3f: {  	_ =	shalt  }
0x40: {  	_ =	shalt  }
0x41: {  	_ =	shalt  }
0x42: {  	_ =	shalt  }
0x43: {  	_ =	shalt  }
0x44: {  	_ =	shalt  }
0x45: {  	_ =	shalt  }
0x46: {  	_ =	shalt  }
0x47: {  	_ =	shalt  }
0x48: {  	_ =	shalt  }
0x49: {  	_ =	shalt  }
0x4a: {  	_ =	shalt  }
0x4b: {  	_ =	shalt  }
0x4c: {  	_ =	shalt  }
0x4d: {  	_ =	shalt  }
0x4e: {  	_ =	shalt  }
0x4f: {  	_ =	shalt  }
0x50: {  	_ =	shalt  }
0x51: {  	_ =	shalt  }
0x52: {  	_ =	shalt  }
0x53: {  	_ =	shalt  }
0x54: {  	_ =	shalt  }
0x55: {  	_ =	shalt  }
0x56: {  	_ =	shalt  }
0x57: {  	_ =	shalt  }
0x58: {  	_ =	shalt  }
0x59: {  	_ =	shalt  }
0x5a: {  	_ =	shalt  }
0x5b: {  	_ =	shalt  }
0x5c: {  	_ =	shalt  }
0x5d: {  	_ =	shalt  }
0x5e: {  	_ =	shalt  }
0x5f: {  	_ =	shalt  }
0x60: {  	_ =	shalt  }
0x61: {  	_ =	shalt  }
0x62: {  	_ =	shalt  }
0x63: {  	_ =	shalt  }
0x64: {  	_ =	shalt  }
0x65: {  	_ =	shalt  }
0x66: {  	_ =	shalt  }
0x67: {  	_ =	shalt  }
0x68: {  	_ =	shalt  }
0x69: {  	_ =	shalt  }
0x6a: {  	_ =	shalt  }
0x6b: {  	_ =	shalt  }
0x6c: {  	_ =	shalt  }
0x6d: {  	_ =	shalt  }
0x6e: {  	_ =	shalt  }
0x6f: {  	_ =	shalt  }
0x70: {  	_ =	shalt  }
0x71: {  	_ =	shalt  }
0x72: {  	_ =	shalt  }
0x73: {  	_ =	shalt  }
0x74: {  	_ =	shalt  }
0x75: {  	_ =	shalt  }
0x76: {  	_ =	shalt  }
0x77: {  	_ =	shalt  }
0x78: {  	_ =	shalt  }
0x79: {  	_ =	shalt  }
0x7a: {  	_ =	shalt  }
0x7b: {  	_ =	shalt  }
0x7c: {  	_ =	shalt  }
0x7d: {  	_ =	shalt  }
0x7e: {  	_ =	shalt  }
0x7f: {  	_ =	shalt  }
0x80: {  	_ =	shalt  }
0x81: {  	_ =	shalt  }
0x82: {  	_ =	shalt  }
0x83: {  	_ =	shalt  }
0x84: {  	_ =	shalt  }
0x85: {  	_ =	shalt  }
0x86: {  	_ =	shalt  }
0x87: {  	_ =	shalt  }
.Lfunc_end0:
.L_simem_size_0:
called_computation_lowered:
.L_overlay_start_0:
0x88: {  	s2 =	sld [smem:$0x3FD9]  }
0x89: {  	s3 =	sld [smem:$0x3FFE];
	_ =	sdelay $0x1  }
0x8a: {  	s1 =	srdreg.scid  }
0x8b: {  	s0 =	sand.u32 $0x1, s1  }
0x8c: {  	s16 =	sshll.u32 s0, $0xA;
	s2 =	sadd.s32 s3, s2  }
0x8d: {  	s2 =	sadd.s32 s2, s16  }
0x8e: {  	[smem:$0x3FBF] =	sst s2  }
0x8f: {  	_ = 	snop  }
0x90: {  	(tm) =	ssettm $0x1  }
0x91: {  	s17 =	sld [smem:$0x3FFB];
	_ =	sdelay $0x3  }
0x92: {  	_ =	strace s17  }
0x93: {  	s2 =	sld [smem:$0x3FFC];
	_ =	sdelay $0x3  }
0x94: {  	_ =	strace s2  }
0x95: {  	s2 =	sld [smem:$0x3FFD];
	_ =	sdelay $0x3  }
0x96: {  	_ =	strace s2  }
0x97: {  	_ =	strace $0x8FFFFFFF  }
0x98: {  	s18 =	sld [smem:$0x3FDB];
	_ =	sdelay $0x1  }
0x99: {  	s19 =	simm.s32 $_scs_section_size  }
0x9a: {  	s4 =	simm.s32 $_size__tile_overlayer_lowered;
	s5 =	simm.s32 $_tile_overlayer_lowered  }
0x9b: {  	s22 =	simm.s32 $0x1BFF;
	s21 =	sshll.u32 s5, $0x1;
	s2 =	sadd.s32 s19, s18  }
0x9c: {  	s6 =	simm.s32 $0x0;
	s20 =	sshll.u32 s4, $0x1;
	s4 =	sadd.s32 s21, s2  }
0x9d: {  	[timem:s6], [sflag:s22] =	dma.local [hbm:s4], s20  }
0x9e: {  	_ =	swait.ge [sflag:s22], s20  }
0x9f: {  	s3 =	ssub.s32 $0x0, s20;
	[sflag:s22] =	ssyncset.done $0x0  }
0xa0: {  	[sflag:s22] =	ssyncadd.s32 s3;
	_ =	sdelay $0x1  }
0xa1: {  	s23 =	simm.s32 $0x1B8B  }
0xa2: {  	_ =	swait.ge [sflag:s23], $0x1  }
0xa3: {  	[sflag:s23] =	ssyncset.done $0x0  }
0xa4: {  	s25 =	simm.s32 $0x1B8E;
	s24 =	sld [smem:$0x3FFE];
	[sflag:s23] =	ssyncadd.s32 $0xFFFFFFFF  }
0xa5: {  	s26 =	simm.s32 $execute0_lowered;
	[smem:$0x3FD2] =	sst s25  }
0xa6: {  	s4 =	sshll.u32 s26, $0x1;
	_ =	strace $0x80000046;
	[dreg:$0x1] =	wrdreg $0xFFFFFFFF  }
0xa7: {  	s28 =	simm.s32 $_size_execute0_lowered;
	s2 =	sadd.s32 s2, s4;
	[dreg:$0x0] =	wrdreg $0x0  }
0xa8: {  	s4 =	sshll.u32 s28, $0x1;
	[dreg:$0x2] =	wrdreg s2  }
0xa9: {  	[dreg:$0x3] =	wrdreg s4  }
0xaa: {  	[dreg:$0x4] =	wrdreg $0xC0  }
0xab: {  	_ =	task [dreg:s6], $0x5FFFF  }
0xac: {  	[dreg:$0x1] =	wrdreg $0xFFFFFFFF  }
0xad: {  	[dreg:$0x0] =	wrdreg $0x60  }
0xae: {  	[dreg:$0x2] =	wrdreg s24  }
0xaf: {  	[dreg:$0x3] =	wrdreg $0x9  }
0xb0: {  	_ =	task.clear_ibuf [dreg:s6], $0x4FFFF;
	_ =	strace $0x90000046  }
0xb1: {  	s29 =	simm.s32 $0x9;
	_ =	strace $0x80000048  }
0xb2: {  	_ =	swait.ge [sflag:s29], $0x1  }
0xb3: {  	[sflag:s29] =	ssyncadd.s32 $0xFFFFFFFF  }
0xb4: {  	_ =	strace $0x90000048  }
0xb5: {  	_ =	sfence  }
0xb6: {  	s30 =	sld [smem:$0x0];
	_ =	sdelay $0x2  }
0xb7: {  	s31 =	sshll.u32 s1, $0xD;
	s1 =	sshrl.u32 s1, $0x2  }
0xb8: {  	s3 =	sand.u32 $0x4000, s31;
	s1 =	sadd.s32 s1, s30  }
0xb9: {  	s0 =	sor.u32 s3, s0;
	s1 =	sshll.u32 s1, $0x11  }
0xba: {  	s0 =	sor.u32 s1, s0  }
0xbb: {  	s0 =	sadd.s32 $0x8F2B, s0  }
0xbc: {  	[sflag:s0] =	ssyncadd.remote.s32 $0x1  }
0xbd: {  	_ =	sfence.sel $0xFFFF  }
0xbe: {  	[dreg:$0x0] =	wrdreg $0xFFFFFFFF;
	(pc) =	sbr.abs _section_cstart, $3  }
0xbf: {  	[dreg:$0x1] =	wrdreg $0xFFFFFFFF  }
0xc0: {  	_ =	task.clear_ibuf [dreg:s6], $0x2FFFF;
	_ =	strace $0x9FFFFFFF  }
0xc1: {  	(tm) =	ssettm $0x7FFFFFFF  }
tec
execute0_lowered:
.L_overlay_start_1:
0x0: {  	(tag) =	ssettag $0x1  }
0x1: {  	s9 =	rddreg [dreg:$0x0];
	s2 =	simm.s32 $0x0;
	s3 =	srdreg.scid  }
0x2: {  	s1 =	stileid.u32;
	s13 =	simm.s32 $0x80;
	s14 =	simm.s32 $0x400  }
0x3: {  	s15 =	simm.s32 $0x2000;
	s16 =	simm.s32 $0x4000;
	s17 =	simm.s32 $0x6000  }
0x4: {  	s18 =	simm.s32 $0x1;
	s19 =	simm.s32 $0x8000;
	s20 =	simm.s32 $0x2  }
0x5: {  	s21 =	simm.s32 $0xA000;
	s22 =	simm.s32 $0x0;
	[smem:$0x7FF] =	sst s2  }
0x6: {  	s6 =	sand.u32 $0x1, s3;
	s29 =	sshll.u32 s1, $0x1;
	s3 =	sadd.s32 $0x1C00, s9  }
0x7: {  	s4 =	sadd.s32 $0x201C00, s9;
	s5 =	sadd.s32 $0x241C00, s9;
	s31 =	sshrl.u32 s1, $0x1  }
0x8: {  	_ =	strace $0x80000047;
	s7 =	sor.u32 s6, s29;
	s30 =	ssub.s32 $0x2, s6  }
0x9: {  	s6 =	sadd.s32 $0x282400, s9;
	s8 =	sshll.u32 s7, $0x6;
	s10 =	sshrl.u32 s30, $0x1  }
0xa: {  	s7 =	sshll.u32 s7, $0x10;
	s11 =	sadd.s32 s8, s9;
	s12 =	ssub.s32 s30, s10  }
0xb: {  	s7 =	sand.u32 $0x30000, s7;
	s8 =	sshll.u32 s31, $0x12;
	s9 =	sadd.s32 $0x1C10, s9  }
0xc: {  	v0 =	vimm.s32 $0x1;
	s10 =	sshll.u32 s31, $0x4;
	s11 =	sadd.s32 $0x281C00, s11;
	s12 =	smax.u32 s12, $0x1  }
.LBB2_1:
0xd: {  	v8 =	vimm.f32 $0.0e+00  }
0xe: {  	v9 =	vimm.f32 $0.0e+00;
	v12 =	vimm.f32 $0.0e+00;
	v3 =	vimm.f32 $0.0e+00;
	s23 =	simm.s32 $0x0  }
.LBB2_2:
0xf: {  	s24 =	sshll.u32 s23, $0xD  }
0x10: {  	s25 =	sadd.s32 s7, s24  }
0x11: {  	s24 =	sadd.s32 s8, s25  }
0x12: {  	s28 =	simm.s32 $0x0;
	s26 =	sadd.s32 s3, s24  }
0x13: {  	[tilespmem:s28], [sflag:$0x1] =	stream.strided.gather [hbm4b:s26+s13], $0x2000, s14, s13, $0x38;
	[tilespmem:$0xA200] =	vst v63  }
0x14: {  	s25 =	sor.u32 s10, s25;
	s0 =	sadd.s32 s24, s9  }
0x15: {  	[tilespmem:s15], [sflag:$0x1] =	stream.strided.gather [hbm4b:s0+s13], $0x2000, s14, s13, $0x38;
	[tilespmem:$0xA200] =	vst v63  }
0x16: {  	s0 =	sadd.s32 s4, s25  }
0x17: {  	[tilespmem:s16], [sflag:$0x1] =	stream.strided.gather [hbm4b:s0+s13], $0x2000, s14, s13, $0x38;
	[tilespmem:$0xA200] =	vst v63  }
0x18: {  	s25 =	sadd.s32 s5, s25  }
0x19: {  	[tilespmem:s17], [sflag:$0x1] =	stream.strided.gather [hbm4b:s25+s13], $0x2000, s14, s13, $0x38;
	[tilespmem:$0xA200] =	vst v63  }
0x1a: {  	_ =	swait.ge [sflag:s18], $0x2000  }
0x1b: {  	[sflag:s18] =	ssyncset.done $0x0  }
0x1c: {  	[sflag:s18] =	ssyncadd.s32 $0xFFFFE000  }
0x1d: {  	_ =	swait.ge [sflag:s18], $0x2000  }
0x1e: {  	[sflag:s18] =	ssyncset.done $0x0  }
0x1f: {  	[sflag:s18] =	ssyncadd.s32 $0xFFFFE000  }
0x20: {  	_ =	swait.ge [sflag:s18], $0x2000  }
0x21: {  	[sflag:s18] =	ssyncset.done $0x0  }
0x22: {  	[sflag:s18] =	ssyncadd.s32 $0xFFFFE000  }
0x23: {  	_ =	swait.ge [sflag:s18], $0x2000  }
0x24: {  	[sflag:s18] =	ssyncset.done $0x0  }
0x25: {  	s31 =	simm.s32 $0x0;
	[sflag:s18] =	ssyncadd.s32 $0xFFFFE000  }
0x26: {  	v13 =	vld [tilespmem:s31+$0x0]  }
0x27: {  	v15 =	vld [tilespmem:s31+$0x2000];
	_ =	sdelay $0x4  }
0x28: {  	v1 =	vsub.f32 v13, v15;
	_ =	sdelay $0x1  }
0x29: {  	v1 =	vand.u32 $0x7FFFFFFF, v1  }
0x2a: {  	v1 =	vsub.f32 $0.0e+00, v1  }
0x2b: {  	s30 =	simm.s32 $0x10  }
0x2c: {  	v10 =	vld [tilespmem:s30+$0x0];
	v1 =	vmul.f32 $1.442695020e+00, v1  }
0x2d: {  	v11 =	vld [tilespmem:s30+$0x2000]  }
0x2e: {  	(erf) = vpow2.f32 v1;
	_ =	sdelay $0x3  }
0x2f: {  	v1 =	vsub.f32 v10, v11;
	_ =	sdelay $0x1  }
0x30: {  	v1 =	vand.u32 $0x7FFFFFFF, v1  }
0x31: {  	v1 =	vsub.f32 $0.0e+00, v1;
	_ =	sdelay $0x1  }
0x32: {  	s26 =	simm.s32 $0x20;
	v1 =	vmul.f32 $1.442695020e+00, v1;
	v2 =	vpop (erf)  }
0x33: {  	v6 =	vld [tilespmem:s26+$0x0];
	v4 =	vadd.f32 $2.000000000e+00, v2  }
0x34: {  	v7 =	vld [tilespmem:s26+$0x2000];
	(erf) = vpow2.f32 v1  }
0x35: {  	(erf) = vrcp.f32 v4;
	_ =	sdelay $0x3  }
0x36: {  	v1 =	vsub.f32 v6, v7;
	_ =	sdelay $0x1  }
0x37: {  	v1 =	vand.u32 $0x7FFFFFFF, v1  }
0x38: {  	s28 =	simm.s32 $0x30;
	v1 =	vsub.f32 $0.0e+00, v1  }
0x39: {  	v5 =	vld [tilespmem:s28+$0x2000];
	v14 =	vpop (erf)  }
0x3a: {  	v4 =	vld [tilespmem:s28+$0x0];
	v1 =	vmul.f32 $1.442695020e+00, v1;
	v16 =	vpop (erf)  }
0x3b: {  	v17 =	vadd.f32 $2.000000000e+00, v14;
	v16 =	vmul.f32 v16, v2  }
0x3c: {  	(erf) = vpow2.f32 v1  }
0x3d: {  	(erf) = vrcp.f32 v17;
	v17 =	vmul.f32 v16, v16;
	_ =	sdelay $0x1  }
0x3e: {  	v1 =	vsub.f32 v4, v5;
	v2 =	vmul.f32 $1.428571490e-01, v17;
	_ =	sdelay $0x1  }
0x3f: {  	v19 =	vld [tilespmem:s31+$0x4000];
	v1 =	vand.u32 $0x7FFFFFFF, v1;
	v2 =	vadd.f32 $2.000000030e-01, v2  }
0x40: {  	v18 =	vsub.f32 $0.0e+00, v1  }
0x41: {  	v21 =	vmul.f32 v2, v17  }
0x42: {  	s25 =	simm.s32 $0x40;
	v20 =	vld [tilespmem:s31+$0x6000];
	v18 =	vmul.f32 $1.442695020e+00, v18  }
0x43: {  	v1 =	vld [tilespmem:s25+$0x0];
	v22 =	vpop (erf);
	v21 =	vadd.f32 $3.333333430e-01, v21  }
0x44: {  	vm0 =	veq.s32 v0, v19;
	(erf) = vpow2.f32 v18;
	v18 =	vadd.f32 $2.000000000e+00, v22;
	v2 =	vld [tilespmem:s25+$0x2000];
	v23 =	vpop (erf)  }
0x45: {  	v16 =	vadd.f32 v16, v16;
	v14 =	vmul.f32 v23, v14;
	v17 =	vmul.f32 v21, v17  }
0x46: {  	(erf) = vrcp.f32 v18;
	v18 =	vmax.f32 v13, v15;
	v13 =	vsel vm0, v15, v13  }
0x47: {  	v23 =	vsub.s32 $0x1, v19;
	v24 =	vmul.f32 v14, v14;
	v17 =	vadd.f32 $1.000000000e+00, v17  }
0x48: {  	v13 =	vsub.f32 v18, v13;
	v23 =	vmul.u32 v20, v23  }
0x49: {  	v21 =	vsub.f32 v1, v2;
	v15 =	vmul.f32 $1.428571490e-01, v24;
	v16 =	vmul.f32 v17, v16  }
0x4a: {  	v19 =	vmul.u32 v19, v20;
	v20 =	vcvt.s32.f32 v23  }
0x4b: {  	v15 =	vadd.f32 $2.000000030e-01, v15;
	v17 =	vand.u32 $0x7FFFFFFF, v21;
	v13 =	vadd.f32 v16, v13  }
0x4c: {  	v17 =	vsub.f32 $0.0e+00, v17;
	v16 =	vcvt.s32.f32 v19  }
0x4d: {  	v18 =	vld [tilespmem:s30+$0x4000];
	vm0 =	vgt.s32 v23, $0x0;
	v21 =	vmul.f32 v15, v24;
	v23 =	vmul.f32 v20, v13  }
0x4e: {  	s29 =	simm.s32 $0x50;
	v15 =	vadd.f32 v20, v12;
	v19 =	vld [tilespmem:s30+$0x6000];
	v12 =	vmul.f32 v16, v13;
	v20 =	vnsel vm0, $0xBF800000, v13  }
0x4f: {  	v25 =	vmul.f32 $1.442695020e+00, v17;
	v13 =	vadd.f32 v23, v8;
	v8 =	vld [tilespmem:s29+$0x0];
	[tilespmem:s31+$0x8000] =	vst v20  }
0x50: {  	v26 =	vadd.f32 $3.333333430e-01, v21;
	v17 =	vpop (erf);
	v12 =	vadd.f32 v12, v9;
	v9 =	vld [tilespmem:s29+$0x2000]  }
0x51: {  	(erf) = vpow2.f32 v25;
	v21 =	vpop (erf);
	v63 =	vadd.f32 $2.000000000e+00, v17  }
0x52: {  	vm0 =	veq.s32 v0, v18;
	v23 =	vmul.f32 v26, v24;
	v20 =	vmul.f32 v21, v22  }
0x53: {  	s31 =	simm.s32 $0x180;
	v21 =	vsub.s32 $0x1, v18;
	v22 =	vmax.f32 v10, v11;
	(erf) = vrcp.f32 v63  }
.LBB2_3:
0x54: {  	p0 =	sne.s32 s31, $0x7FC0;
	v24 =	vmul.f32 v20, v20;
	v25 =	vadd.f32 v14, v14;
	v23 =	vadd.f32 $1.000000000e+00, v23;
	v14 =	vmovc v20  }
0x55: {  	v21 =	vmul.u32 v19, v21;
	v27 =	vsel vm0, v11, v10;
	v10 =	vmovc v6;
	v20 =	vsub.f32 v8, v9  }
0x56: {  	v6 =	vmovc v4;
	v4 =	vmovc v1;
	v22 =	vsub.f32 v22, v27;
	v26 =	vmul.f32 $1.428571490e-01, v24;
	v23 =	vmul.f32 v23, v25  }
0x57: {  	v19 =	vmul.u32 v18, v19;
	v1 =	vmovc v8;
	v11 =	vmovc v7;
	vm0 =	vgt.s32 v21, $0x0;
	v20 =	vand.u32 $0x7FFFFFFF, v20  }
0x58: {  	v7 =	vmovc v5;
	v5 =	vmovc v2;
	v21 =	vcvt.s32.f32 v21;
	v8 =	vadd.f32 $2.000000030e-01, v26;
	v22 =	vadd.f32 v23, v22  }
0x59: {  	v3 =	vadd.f32 v16, v3;
	v2 =	vmovc v9;
	v16 =	vcvt.s32.f32 v19;
	v20 =	vsub.f32 $0.0e+00, v20;
	v18 =	vld [tilespmem:s26+$0x4000]  }
0x5a: {  	s0 =	sshra.s32 s31, $0x2;
	v25 =	vpop (erf);
	v19 =	vld [tilespmem:s26+$0x6000];
	v23 =	vmul.f32 v8, v24;
	v9 =	vnsel vm0, $0xBF800000, v22;
	v26 =	vmul.f32 v21, v22  }
.Ltmp0:
0x5b: {  	v15 =	vadd.f32 v21, v15;
	v20 =	vmul.f32 $1.442695020e+00, v20;
	v21 =	vmul.f32 v16, v22;
	v8 =	vld [tilespmem:s0+$0x0];
	[tilespmem:s30+$0x8000] =	vst v9;
	s30 =	smov.u32 s26;
	s26 =	smov.u32 s28;
	(pc) =	sbr.rel @p0 .LBB2_3-.Ltmp0, $4  }
0x5c: {  	s28 =	smov.u32 s25;
	s25 =	smov.u32 s29;
	s29 =	smov.u32 s0;
	v9 =	vld [tilespmem:s0+$0x2000];
	v22 =	vpop (erf);
	v23 =	vadd.f32 $3.333333430e-01, v23;
	v13 =	vadd.f32 v26, v13  }
0x5d: {  	v26 =	vadd.f32 $2.000000000e+00, v25;
	v12 =	vadd.f32 v21, v12;
	(erf) = vpow2.f32 v20  }
0x5e: {  	v20 =	vmul.f32 v22, v17;
	v17 =	vmovc v25;
	v21 =	vsub.s32 $0x1, v18;
	v23 =	vmul.f32 v23, v24  }
0x5f: {  	s31 =	sadd.s32 $0x40, s31;
	v22 =	vmax.f32 v10, v11;
	vm0 =	veq.s32 v0, v18;
	(erf) = vrcp.f32 v26  }
0x60: {  	_ = 	snop  }
0x61: {  	v24 =	vsub.f32 v8, v9;
	_ =	sdelay $0x1  }
0x62: {  	v24 =	vand.u32 $0x7FFFFFFF, v24  }
0x63: {  	v24 =	vsub.f32 $0.0e+00, v24;
	_ =	sdelay $0x1  }
0x64: {  	v24 =	vmul.f32 $1.442695020e+00, v24;
	_ =	sdelay $0x1  }
0x65: {  	(erf) = vpow2.f32 v24  }
0x66: {  	v25 =	vmul.f32 v20, v20;
	v14 =	vadd.f32 v14, v14;
	v23 =	vadd.f32 $1.000000000e+00, v23;
	_ =	sdelay $0x1  }
0x67: {  	v37 =	vmul.f32 $1.428571490e-01, v25;
	v14 =	vmul.f32 v23, v14  }
0x68: {  	v10 =	vsel vm0, v11, v10;
	v21 =	vmul.u32 v19, v21;
	v3 =	vadd.f32 v16, v3  }
0x69: {  	v26 =	vld [tilespmem:s26+$0x4000];
	v18 =	vmul.u32 v18, v19;
	v10 =	vsub.f32 v22, v10;
	v11 =	vadd.f32 $2.000000030e-01, v37  }
0x6a: {  	v45 =	vadd.f32 v20, v20;
	v56 =	vmax.f32 v4, v5;
	v62 =	vmax.f32 v1, v2;
	v38 =	vpop (erf)  }
0x6b: {  	v10 =	vadd.f32 v14, v10;
	v11 =	vmul.f32 v11, v25;
	v39 =	vadd.f32 $2.000000000e+00, v38;
	v14 =	vpop (erf)  }
0x6c: {  	vm8 =	vgt.s32 v21, $0x0;
	v21 =	vcvt.s32.f32 v21;
	v14 =	vmul.f32 v14, v17  }
0x6d: {  	v18 =	vcvt.s32.f32 v18;
	v11 =	vadd.f32 $3.333333430e-01, v11;
	(erf) = vrcp.f32 v39;
	v42 =	vpop (erf)  }
0x6e: {  	vm7 =	veq.s32 v0, v26;
	v44 =	vmul.f32 v14, v14;
	v43 =	vadd.f32 $2.000000000e+00, v42  }
0x6f: {  	v41 =	vld [tilespmem:s26+$0x6000];
	v15 =	vadd.f32 v21, v15;
	v40 =	vsel vm7, v7, v6;
	v11 =	vmul.f32 v11, v25  }
0x70: {  	v6 =	vmax.f32 v6, v7;
	v7 =	vmul.f32 $1.428571490e-01, v44;
	(erf) = vrcp.f32 v43  }
0x71: {  	v63 =	vmax.f32 v8, v9;
	v3 =	vadd.f32 v18, v3;
	v11 =	vadd.f32 $1.000000000e+00, v11  }
0x72: {  	v46 =	vsub.s32 $0x1, v26;
	v21 =	vmul.f32 v21, v10;
	v7 =	vadd.f32 $2.000000030e-01, v7  }
0x73: {  	v47 =	vnsel vm8, $0xBF800000, v10;
	v6 =	vsub.f32 v6, v40;
	v11 =	vmul.f32 v11, v45  }
0x74: {  	v19 =	vmul.u32 v41, v46;
	v10 =	vmul.f32 v18, v10;
	[tilespmem:s30+$0x8000] =	vst v47;
	v7 =	vmul.f32 v7, v44  }
0x75: {  	v16 =	vmul.u32 v26, v41;
	v13 =	vadd.f32 v21, v13;
	v6 =	vadd.f32 v11, v6;
	v11 =	vld [tilespmem:s28+$0x4000]  }
0x76: {  	v48 =	vcvt.s32.f32 v19;
	v10 =	vadd.f32 v10, v12;
	v50 =	vpop (erf);
	v7 =	vadd.f32 $3.333333430e-01, v7  }
0x77: {  	vm9 =	vgt.s32 v19, $0x0;
	v12 =	vcvt.s32.f32 v16;
	v18 =	vmul.f32 v50, v38  }
0x78: {  	v51 =	vld [tilespmem:s28+$0x6000];
	v14 =	vadd.f32 v14, v14;
	v49 =	vmul.f32 v48, v6;
	v7 =	vmul.f32 v7, v44  }
0x79: {  	v52 =	vnsel vm9, $0xBF800000, v6;
	v6 =	vmul.f32 v12, v6;
	v54 =	vmul.f32 v18, v18;
	v55 =	vpop (erf)  }
0x7a: {  	vm10 =	veq.s32 v0, v11;
	v7 =	vadd.f32 $1.000000000e+00, v7;
	v17 =	vmul.f32 v55, v42  }
0x7b: {  	v53 =	vsub.s32 $0x1, v11;
	v4 =	vsel vm10, v5, v4;
	v57 =	vmul.f32 $1.428571490e-01, v54  }
0x7c: {  	v4 =	vsub.f32 v56, v4;
	v7 =	vmul.f32 v7, v14;
	v5 =	vmul.f32 v17, v17  }
0x7d: {  	v6 =	vadd.f32 v6, v10;
	v10 =	vmul.u32 v11, v51;
	v16 =	vmul.u32 v51, v53  }
0x7e: {  	v14 =	vadd.f32 $2.000000030e-01, v57;
	v4 =	vadd.f32 v7, v4;
	v11 =	vmul.f32 $1.428571490e-01, v5  }
0x7f: {  	v15 =	vadd.f32 v48, v15;
	[tilespmem:s26+$0x8000] =	vst v52;
	v58 =	vcvt.s32.f32 v16;
	vm11 =	vgt.s32 v16, $0x0  }
0x80: {  	v7 =	vld [tilespmem:s25+$0x4000];
	v14 =	vmul.f32 v14, v54;
	v60 =	vnsel vm11, $0xBF800000, v4;
	v11 =	vadd.f32 $2.000000030e-01, v11  }
0x81: {  	v3 =	vadd.f32 v12, v3;
	v13 =	vadd.f32 v49, v13;
	v59 =	vld [tilespmem:s25+$0x6000];
	v10 =	vcvt.s32.f32 v10;
	[tilespmem:s28+$0x8000] =	vst v60  }
0x82: {  	v12 =	vadd.f32 v58, v15;
	v14 =	vadd.f32 $3.333333430e-01, v14;
	v15 =	vld [tilespmem:s29+$0x4000];
	v11 =	vmul.f32 v11, v5  }
0x83: {  	v18 =	vadd.f32 v18, v18;
	v61 =	vmul.f32 v58, v4;
	v4 =	vmul.f32 v10, v4  }
0x84: {  	v3 =	vadd.f32 v10, v3;
	v14 =	vmul.f32 v14, v54;
	v11 =	vadd.f32 $3.333333430e-01, v11  }
0x85: {  	v4 =	vadd.f32 v4, v6;
	v6 =	vsub.s32 $0x1, v7;
	vm12 =	veq.s32 v0, v7  }
0x86: {  	v14 =	vadd.f32 $1.000000000e+00, v14;
	v1 =	vsel vm12, v2, v1;
	v2 =	vld [tilespmem:s29+$0x6000];
	v5 =	vmul.f32 v11, v5  }
0x87: {  	v7 =	vmul.u32 v7, v59;
	v6 =	vmul.u32 v59, v6;
	vm13 =	veq.s32 v0, v15  }
0x88: {  	v11 =	vmul.f32 v14, v18;
	v14 =	vadd.f32 v17, v17;
	v5 =	vadd.f32 $1.000000000e+00, v5  }
0x89: {  	v1 =	vsub.f32 v62, v1;
	vm14 =	vgt.s32 v6, $0x0;
	v8 =	vsel vm13, v9, v8  }
0x8a: {  	v9 =	vsub.s32 $0x1, v15;
	v8 =	vsub.f32 v63, v8;
	v5 =	vmul.f32 v5, v14  }
0x8b: {  	v6 =	vcvt.s32.f32 v6;
	v9 =	vmul.u32 v2, v9;
	v1 =	vadd.f32 v11, v1  }
0x8c: {  	v7 =	vcvt.s32.f32 v7;
	v2 =	vmul.u32 v15, v2;
	v5 =	vadd.f32 v5, v8  }
0x8d: {  	s23 =	sadd.s32 $0x1, s23;
	vm15 =	vgt.s32 v9, $0x0;
	v11 =	vmul.f32 v6, v1;
	v8 =	vnsel vm14, $0xBF800000, v1  }
0x8e: {  	s0 =	sshrl.u32 s24, $0x3;
	p0 =	sne.s32 s23, $0x8;
	v1 =	vmul.f32 v7, v1;
	[tilespmem:s25+$0x8000] =	vst v8;
	v8 =	vcvt.s32.f32 v9;
	v9 =	vnsel vm15, $0xBF800000, v5  }
.Ltmp1:
0x8f: {  	s0 =	sadd.s32 s6, s0;
	v13 =	vadd.f32 v61, v13;
	v3 =	vadd.f32 v7, v3;
	v2 =	vcvt.s32.f32 v2;
	[tilespmem:s29+$0x8000] =	vst v9;
	(pc) =	sbr.rel @p0 .LBB2_2-.Ltmp1, $4  }
0x90: {  	v6 =	vadd.f32 v6, v12;
	v1 =	vadd.f32 v1, v4;
	[hbm4b:s0+s2] =	stream.linear.scatter [tilespmem:s19], [sflag:$0x2], $0x2000, $0x38;
	[tilespmem:$0xA200] =	vst v63  }
0x91: {  	v4 =	vmul.f32 v2, v5;
	v9 =	vadd.f32 v11, v13;
	v10 =	vmul.f32 v8, v5;
	_ =	swait.ge [sflag:s20], $0x2000  }
0x92: {  	v3 =	vadd.f32 v2, v3;
	v12 =	vadd.f32 v8, v6;
	[sflag:s20] =	ssyncset.done $0x0  }
0x93: {  	v8 =	vadd.f32 v10, v9;
	v9 =	vadd.f32 v4, v1;
	[sflag:s20] =	ssyncadd.s32 $0xFFFFE000  }
0x94: {  	[tilespmem:$0xA000] =	vst v3  }
0x95: {  	[tilespmem:$0xA080] =	vst v12;
	s22 =	sadd.s32 $0x1, s22  }
0x96: {  	[tilespmem:$0xA100] =	vst v9;
	p0 =	sne.s32 s22, s12  }
.Ltmp2:
0x97: {  	[tilespmem:$0xA180] =	vst v8;
	(pc) =	sbr.rel @p0 .LBB2_1-.Ltmp2, $4  }
0x98: {  	[hbm4b:s11+s2] =	stream.linear.scatter [tilespmem:s21], [sflag:$0x2], $0x200, $0x38;
	[tilespmem:$0xA200] =	vst v63  }
0x99: {  	_ =	swait.ge [sflag:s20], $0x200  }
0x9a: {  	[sflag:s20] =	ssyncset.done $0x0  }
0x9b: {  	[sflag:s20] =	ssyncadd.s32 $0xFFFFFE00  }
0x9c: {  	_ =	sfence.sel $0x180000  }
0x9d: {  	[bflag:$0x0] =	sbarrier.arrive $0xFFFF  }
0x9e: {  	_ =	strace $0x90000047  }
0x9f: {  	[bflag:$0x2] =	sbarrier.arrive $0xFFFF  }
0xa0: {  	p0 =	sne.s32 s1, $0x0;
	s0 =	rddreg [dreg:$0x1]  }
0xa1: {  	s0 =	sadd.s32 @!p0 $0x100000, s0  }
0xa2: {  	[sflag:s0] =	ssyncadd.tile.s32 @!p0 $0x1;
	_ =	shalt  }
.Lfunc_end2:
_tile_overlayer_lowered:
.L_overlay_start_2:
0xa3: {  	(tag) =	ssettag $0x2  }
0xa4: {  	s0 =	rddreg [dreg:$0x0];
	s2 =	stileid.u32  }
0xa5: {  	s1 =	rddreg [dreg:$0x1];
	p0 =	sne.s32 s2, $0x0  }
0xa6: {  	s3 =	rddreg [dreg:$0x2];
	[bflag:$0x3] =	sbarrier.arrive $0xFFFF;
	s2 =	simm.s32 @!p0 $0x1C02  }
0xa7: {  	[timem:s3], [sflag:s2] =	dma.local @!p0 [hbm:s0], s1  }
0xa8: {  	s0 =	simm.s32 @!p0 $0x2  }
0xa9: {  	_ =	swait.ge @!p0 [sflag:s0], s1  }
0xaa: {  	s1 =	ssub.s32 @!p0 $0x0, s1;
	[sflag:s0] =	ssyncset.done @!p0 $0x0  }
0xab: {  	[sflag:s0] =	ssyncadd.s32 @!p0 s1  }
0xac: {  	[bflag:$0x3] =	sbarrier.arrive $0xFFFF  }
0xad: {  	_ =	shalt  }

</sc_bundles>
